<compile_context>
chip_gen: v7x
topology: tpu7x:2x2x1
jax: 0.10.2.dev20260603
libtpu: 0.0.44.dev20260713+nightly
codegen_flags: <defaults>
</compile_context>

<pallas_src>
import functools

import jax
import jax.numpy as jnp
from jax import lax
from jax.experimental import pallas as pl
from jax.experimental.pallas import tpu as pltpu
from jax.experimental.pallas import tpu_sc as plsc
from jax._src.pallas import mpmd as _mpmd

_NC = 2
_NS = 16
_NW = _NC * _NS
_L = 16
_CH = 128


@functools.cache
def _make_sc_update(m, d, b):
    per_w = m // _NW
    nvec = b // _L
    mesh = plsc.VectorSubcoreMesh(
        core_axis_name="c", subcore_axis_name="s", num_cores=_NC)

    def sc_update(mem_in, idx_hbm, val_hbm, out_hbm, idxb, rows_l, pos_l,
                  wp_l, aux, rstage, wstage, rowsbuf, gsem, ssem):
        del mem_in
        wid = lax.axis_index("s") * _NC + lax.axis_index("c")
        lo = wid * per_w
        hi = lo + per_w
        lane = lax.iota(jnp.int32, _L)

        pltpu.sync_copy(idx_hbm, idxb)

        def scan_body(t, cnt):
            v = idxb[pl.ds(t * _L, _L)]
            msk = (v >= lo) & (v < hi)
            plsc.store_compressed(rows_l.at[pl.ds(cnt, _L)], v, mask=msk)
            plsc.store_compressed(
                pos_l.at[pl.ds(cnt, _L)], t * _L + lane, mask=msk)
            return cnt + jnp.max(plsc.all_reduce_population_count(msk))

        cnt = lax.fori_loop(0, nvec, scan_body, jnp.int32(0))

        def _ld(ref, k):
            return ref[pl.ds(k, _L)][0]

        def dedup_body(k, _):
            rl = jnp.clip(_ld(rows_l, k) - lo, 0, per_w - 1)
            plsc.store_compressed(
                aux.at[pl.ds(rl, _L)],
                jnp.full((_L,), k, jnp.int32), mask=lane == 0)
            return _

        lax.fori_loop(0, cnt, dedup_body, jnp.int32(0))

        def win_body(t, _):
            off = t * _L
            rvec = rows_l[pl.ds(off, _L)]
            rloc = jnp.clip(rvec - lo, 0, per_w - 1)
            kw = jnp.clip(plsc.load_gather(aux, [rloc]), 0, b - 1)
            wp_l[pl.ds(off, _L)] = plsc.load_gather(pos_l, [kw])
            return _

        lax.fori_loop(0, (cnt + _L - 1) // _L, win_body, jnp.int32(0))

        @pl.when(cnt > 0)
        def _():
            r0 = jnp.full((_L,), _ld(rows_l, 0), jnp.int32)
            w0 = jnp.full((_L,), _ld(wp_l, 0), jnp.int32)
            for j in range(_CH // _L):
                rows_l[pl.ds(cnt + j * _L, _L)] = r0
                wp_l[pl.ds(cnt + j * _L, _L)] = w0

        def apply_body(c, _):
            for j in range(_CH // _L):
                off = c * _CH + j * _L
                rstage[pl.ds(j * _L, _L)] = jnp.clip(
                    rows_l[pl.ds(off, _L)], 0, m - 1)
                wstage[pl.ds(j * _L, _L)] = jnp.clip(
                    wp_l[pl.ds(off, _L)], 0, b - 1)
            pltpu.async_copy(val_hbm.at[wstage], rowsbuf, gsem).wait()
            pltpu.async_copy(rowsbuf, out_hbm.at[rstage], ssem).wait()
            return _

        lax.fori_loop(0, (cnt + _CH - 1) // _CH, apply_body, jnp.int32(0))

    return _mpmd._mpmd_map(
        [(mesh, sc_update)],
        jax.ShapeDtypeStruct((m, d), jnp.float32),
        input_output_aliases={0: 0},
        scratch_types=[
            pltpu.VMEM((b,), jnp.int32),
            pltpu.VMEM((b + _CH + _L,), jnp.int32),
            pltpu.VMEM((b + _CH + _L,), jnp.int32),
            pltpu.VMEM((b + _CH + _L,), jnp.int32),
            pltpu.VMEM((per_w + _L,), jnp.int32),
            pltpu.VMEM((_CH,), jnp.int32),
            pltpu.VMEM((_CH,), jnp.int32),
            pltpu.VMEM((_CH, d), jnp.float32),
            pltpu.SemaphoreType.DMA,
            pltpu.SemaphoreType.DMA,
        ],
        compiler_params=pltpu.CompilerParams(
            use_tc_tiling_on_sc=False, needs_layout_passes=False),
    )


def kernel(memory, idx, val):
    m, d = memory.shape
    b = idx.shape[0]
    return _make_sc_update(m, d, b)(memory, idx, val)

# --- scband reference (transcript-rebuilt; emitter-appended) ---
"""Pipeline reference for scband-memo-tuning-58566174048578 (READ-ONLY COPY).

The authoritative reference and input builder live on the scoring server;
editing this copy changes nothing except your own understanding.
"""

import jax, jax.numpy as jnp
import numpy as np

M = 1000000
D = 32
B = 16384

def setup_inputs(seed: int = 0) -> dict:
    key = jax.random.key(seed)
    k1, k2, k3 = jax.random.split(key, 3)
    memory = jax.random.normal(k1, (M, D), dtype=jnp.float32)
    idx = jax.random.randint(k2, (B,), 0, M, dtype=jnp.int32)
    val = jax.random.normal(k3, (B, D), dtype=jnp.float32)
    return {"memory": memory, "idx": idx, "val": val}

def reference(memory, idx, val):
    # Core scatter-memory pattern of MemoTuning:
    # save2memory / update -> scatter-overwrite new results into the memory bank
    # at rows given by their keys (idx). Later retrieval reads rows back by key.
    new_mem = memory.at[idx].set(val)
    return new_mem

if __name__ == "__main__":
    import jax
    _d = setup_inputs()
    print(jax.jit(kernel)(*tuple(_d.values())))

</pallas_src>

<mosaic_0001>
#map = affine_map<(d0, d1) -> (0, 0)>
#map1 = affine_map<(d0, d1) -> (0)>
module attributes {stable_mosaic.version = 14 : i64} {
  func.func @sc_update(%arg0: i32, %arg1: i32, %arg2: memref<1000000x32xf32, #tpu.memory_space<hbm>>, %arg3: memref<16384xi32, #tpu.memory_space<hbm>>, %arg4: memref<16384x32xf32, #tpu.memory_space<hbm>>, %arg5: memref<1000000x32xf32, #tpu.memory_space<hbm>>, %arg6: memref<16384xi32, #tpu.memory_space<vmem>>, %arg7: memref<16528xi32, #tpu.memory_space<vmem>>, %arg8: memref<16528xi32, #tpu.memory_space<vmem>>, %arg9: memref<16528xi32, #tpu.memory_space<vmem>>, %arg10: memref<31266xi32, #tpu.memory_space<vmem>>, %arg11: memref<128xi32, #tpu.memory_space<vmem>>, %arg12: memref<128xi32, #tpu.memory_space<vmem>>, %arg13: memref<128x32xf32, #tpu.memory_space<vmem>>, %arg14: memref<!tpu.dma_semaphore, #tpu.memory_space<semaphore_mem>>, %arg15: memref<!tpu.dma_semaphore, #tpu.memory_space<semaphore_mem>>) attributes {dimension_semantics = [#tpu.dimension_semantics<core_parallel>, #tpu.dimension_semantics<subcore_parallel>], iteration_bounds = array<i64: 2, 16>, scalar_prefetch = 0 : i64, scratch_operands = 10 : i64, tpu.core_type = #tpu.core_type<sc_vector_subcore>, window_params = [{transform_indices = #map}, {transform_indices = #map1}, {transform_indices = #map}, {transform_indices = #map}]} {
    %mul3A = arith.constant 2 : i32
    %mul3A_0 = arith.muli %arg1, %mul3A : i32
    %add3A = arith.addi %mul3A_0, %arg0 : i32
    %mul3A_1 = arith.constant 31250 : i32
    %mul3A_2 = arith.muli %add3A, %mul3A_1 : i32
    %add3A_3 = arith.constant 31250 : i32
    %add3A_4 = arith.addi %mul3A_2, %add3A_3 : i32
    %iota3A = tpu.iota {dimensions = array<i32: 0>} : vector<16xi32>
    "tpu.region"() ({
      %run_scoped3A = tpu.sem_alloc : memref<!tpu.dma_semaphore, #tpu.memory_space<semaphore_mem>>
      tpu.enqueue_dma source(%arg3 : memref<16384xi32, #tpu.memory_space<hbm>>) target(%arg6 : memref<16384xi32, #tpu.memory_space<vmem>>) target_semaphore(%run_scoped3A : memref<!tpu.dma_semaphore, #tpu.memory_space<semaphore_mem>>)
      tpu.wait_dma2 semaphore(%run_scoped3A : memref<!tpu.dma_semaphore, #tpu.memory_space<semaphore_mem>>) src(%arg3 : memref<16384xi32, #tpu.memory_space<hbm>>) dst(%arg6 : memref<16384xi32, #tpu.memory_space<vmem>>)
      tpu.yield
    }) : () -> ()
    %scan3A = arith.constant 0 : i32
    %scan3A_5 = arith.constant 0 : i32
    %scan3A_6 = arith.constant 1024 : i32
    %scan3A_7 = arith.addi %scan3A_5, %scan3A_6 : i32
    %scan3A_8 = arith.constant 1 : i32
    %scan3A_9 = scf.for %scan3A_90 = %scan3A_5 to %scan3A_7 step %scan3A_8 iter_args(%scan3A_91 = %scan3A) -> (i32)  : i32 {
      %mul3A_92 = arith.constant 16 : i32
      %mul3A_93 = arith.muli %scan3A_90, %mul3A_92 : i32
      %get3A = arith.index_cast %mul3A_93 : i32 to index
      %get3A_94 = tpu.vector_load %arg6[%get3A] {strides = array<i32>} : memref<16384xi32, #tpu.memory_space<vmem>>, vector<16xi32>,
      %ge3A = vector.broadcast %mul3A_2 : i32 to vector<16xi32>
      %ge3A_95 = arith.cmpi sge, %get3A_94, %ge3A : vector<16xi32>
      %lt3A = vector.broadcast %add3A_4 : i32 to vector<16xi32>
      %lt3A_96 = arith.cmpi slt, %get3A_94, %lt3A : vector<16xi32>
      %and3A_97 = arith.andi %ge3A_95, %lt3A_96 : vector<16xi1>
      %swap3A = arith.index_cast %scan3A_91 : i32 to index
      %swap3A_98 = tpu.vector_load %arg7[%swap3A] masked %and3A_97 {strides = array<i32>} : memref<16528xi32, #tpu.memory_space<vmem>>, vector<16xi32>, vector<16xi1>
      tpu.vector_store %arg7[%swap3A], %get3A_94 masked %and3A_97 {strides = array<i32>} : memref<16528xi32, #tpu.memory_space<vmem>>, vector<16xi32>, vector<16xi1>
      %mul3A_99 = arith.constant 16 : i32
      %mul3A_100 = arith.muli %scan3A_90, %mul3A_99 : i32
      %add3A_101 = vector.broadcast %mul3A_100 : i32 to vector<16xi32>
      %add3A_102 = arith.addi %add3A_101, %iota3A : vector<16xi32>
      %swap3A_103 = arith.index_cast %scan3A_91 : i32 to index
      %swap3A_104 = tpu.vector_load %arg8[%swap3A_103] masked %and3A_97 {strides = array<i32>} : memref<16528xi32, #tpu.memory_space<vmem>>, vector<16xi32>, vector<16xi1>
      tpu.vector_store %arg8[%swap3A_103], %add3A_102 masked %and3A_97 {strides = array<i32>} : memref<16528xi32, #tpu.memory_space<vmem>>, vector<16xi32>, vector<16xi1>
      %all_reduce_population_count3A = tpu.all_reduce %and3A_97 {dim = 0 : i64, kind = #tpu.reduction_kind<sum>} : vector<16xi1> -> vector<16xi32>
      %reduce_max3A = arith.constant true
      %reduce_max3A_105 = vector.broadcast %reduce_max3A : i1 to vector<16xi1>
      %reduce_max3A_106 = arith.constant -2147483648 : i32
      %reduce_max3A_107 = vector.broadcast %reduce_max3A_106 : i32 to vector<16xi32>
      %reduce_max3A_108 = arith.xori %all_reduce_population_count3A, %reduce_max3A_107 : vector<16xi32>
      %reduce_max3A_109 = tpu.scan <max>, %reduce_max3A_108 masked %reduce_max3A_105 : vector<16xi32>, vector<16xi1> -> vector<16xi32>
      %reduce_max3A_110 = arith.xori %reduce_max3A_109, %reduce_max3A_107 : vector<16xi32>
      %reduce_max3A_111 = vector.extract %reduce_max3A_110[15] : i32 from vector<16xi32>
      %add3A_112 = arith.addi %scan3A_91, %reduce_max3A_111 : i32
      scf.yield %add3A_112 : i32
    }
    %scan3A_10 = arith.constant 1024 : i32
    %while3A = arith.constant 0 : i32
    %while3A_11 = arith.constant 0 : i32
    %while3A_12 = arith.subi %scan3A_9, %while3A_11 : i32
    %while3A_13 = arith.addi %while3A_11, %while3A_12 : i32
    %while3A_14 = arith.constant 1 : i32
    %while3A_15 = arith.divsi %while3A_12, %while3A_14 : i32
    %while3A_16 = arith.muli %while3A_15, %while3A_14 : i32
    %while3A_17 = arith.addi %while3A_11, %while3A_16 : i32
    %while3A_18 = arith.constant 1 : i32
    scf.for %while3A_90 = %while3A_11 to %while3A_17 step %while3A_18  : i32 {
      %get3A = arith.index_cast %while3A_90 : i32 to index
      %get3A_91 = tpu.vector_load %arg7[%get3A] {strides = array<i32>} : memref<16528xi32, #tpu.memory_space<vmem>>, vector<16xi32>,
      %slice3A = vector.extract_strided_slice %get3A_91 {offsets = [0], sizes = [1], strides = [1]} : vector<16xi32> to vector<1xi32>
      %squeeze3A = vector.extract %slice3A[0] : i32 from vector<1xi32>
      %sub3A_92 = arith.subi %squeeze3A, %mul3A_2 : i32
      %jit3A_93 = arith.constant 0 : i32
      %jit3A_94 = arith.constant 31249 : i32
      %max3A = arith.maxsi %jit3A_93, %sub3A_92 : i32
      %min3A = arith.minsi %jit3A_94, %max3A : i32
      %broadcast_in_dim3A = vector.broadcast %while3A_90 : i32 to vector<16xi32>
      %eq3A = arith.constant 0 : i32
      %eq3A_95 = vector.broadcast %eq3A : i32 to vector<16xi32>
      %eq3A_96 = arith.cmpi eq, %iota3A, %eq3A_95 : vector<16xi32>
      %swap3A = arith.index_cast %min3A : i32 to index
      %swap3A_97 = tpu.vector_load %arg10[%swap3A] masked %eq3A_96 {strides = array<i32>} : memref<31266xi32, #tpu.memory_space<vmem>>, vector<16xi32>, vector<16xi1>
      tpu.vector_store %arg10[%swap3A], %broadcast_in_dim3A masked %eq3A_96 {strides = array<i32>} : memref<31266xi32, #tpu.memory_space<vmem>>, vector<16xi32>, vector<16xi1>
    }
    %while3A_19 = arith.constant 1 : i32
    scf.for %while3A_90 = %while3A_17 to %while3A_13 step %while3A_19  : i32 {
      %get3A = arith.index_cast %while3A_90 : i32 to index
      %get3A_91 = tpu.vector_load %arg7[%get3A] {strides = array<i32>} : memref<16528xi32, #tpu.memory_space<vmem>>, vector<16xi32>,
      %slice3A = vector.extract_strided_slice %get3A_91 {offsets = [0], sizes = [1], strides = [1]} : vector<16xi32> to vector<1xi32>
      %squeeze3A = vector.extract %slice3A[0] : i32 from vector<1xi32>
      %sub3A_92 = arith.subi %squeeze3A, %mul3A_2 : i32
      %jit3A_93 = arith.constant 0 : i32
      %jit3A_94 = arith.constant 31249 : i32
      %max3A = arith.maxsi %jit3A_93, %sub3A_92 : i32
      %min3A = arith.minsi %jit3A_94, %max3A : i32
      %broadcast_in_dim3A = vector.broadcast %while3A_90 : i32 to vector<16xi32>
      %eq3A = arith.constant 0 : i32
      %eq3A_95 = vector.broadcast %eq3A : i32 to vector<16xi32>
      %eq3A_96 = arith.cmpi eq, %iota3A, %eq3A_95 : vector<16xi32>
      %swap3A = arith.index_cast %min3A : i32 to index
      %swap3A_97 = tpu.vector_load %arg10[%swap3A] masked %eq3A_96 {strides = array<i32>} : memref<31266xi32, #tpu.memory_space<vmem>>, vector<16xi32>, vector<16xi1>
      tpu.vector_store %arg10[%swap3A], %broadcast_in_dim3A masked %eq3A_96 {strides = array<i32>} : memref<31266xi32, #tpu.memory_space<vmem>>, vector<16xi32>, vector<16xi1>
    }
    %add3A_20 = arith.constant 16 : i32
    %add3A_21 = arith.addi %scan3A_9, %add3A_20 : i32
    %sub3A = arith.constant 1 : i32
    %sub3A_22 = arith.subi %add3A_21, %sub3A : i32
    %jit3A = arith.constant 16 : i32
    %div3A = arith.divsi %sub3A_22, %jit3A : i32
    %sign3A = arith.constant 0 : i32
    %sign3A_23 = arith.cmpi sgt, %sub3A_22, %sign3A : i32
    %sign3A_24 = arith.extui %sign3A_23 : i1 to i32
    %sign3A_25 = arith.constant 0 : i32
    %sign3A_26 = arith.cmpi slt, %sub3A_22, %sign3A_25 : i32
    %sign3A_27 = arith.extui %sign3A_26 : i1 to i32
    %sign3A_28 = arith.subi %sign3A_24, %sign3A_27 : i32
    %sign3A_29 = arith.constant 0 : i32
    %sign3A_30 = arith.cmpi sgt, %jit3A, %sign3A_29 : i32
    %sign3A_31 = arith.extui %sign3A_30 : i1 to i32
    %sign3A_32 = arith.constant 0 : i32
    %sign3A_33 = arith.cmpi slt, %jit3A, %sign3A_32 : i32
    %sign3A_34 = arith.extui %sign3A_33 : i1 to i32
    %sign3A_35 = arith.subi %sign3A_31, %sign3A_34 : i32
    %ne3A = arith.cmpi ne, %sign3A_28, %sign3A_35 : i32
    %rem3A = arith.remsi %sub3A_22, %jit3A : i32
    %ne3A_36 = arith.constant 0 : i32
    %ne3A_37 = arith.cmpi ne, %rem3A, %ne3A_36 : i32
    %and3A = arith.andi %ne3A, %ne3A_37 : i1
    %sub3A_38 = arith.constant 1 : i32
    %sub3A_39 = arith.subi %div3A, %sub3A_38 : i32
    %select_n3A = arith.select %and3A, %sub3A_39, %div3A : i32
    %while3A_40 = arith.constant 0 : i32
    %while3A_41 = arith.constant 0 : i32
    %while3A_42 = arith.subi %select_n3A, %while3A_41 : i32
    %while3A_43 = arith.addi %while3A_41, %while3A_42 : i32
    %while3A_44 = arith.constant 1 : i32
    %while3A_45 = arith.divsi %while3A_42, %while3A_44 : i32
    %while3A_46 = arith.muli %while3A_45, %while3A_44 : i32
    %while3A_47 = arith.addi %while3A_41, %while3A_46 : i32
    %while3A_48 = arith.constant 1 : i32
    scf.for %while3A_90 = %while3A_41 to %while3A_47 step %while3A_48  : i32 {
      %mul3A_91 = arith.constant 16 : i32
      %mul3A_92 = arith.muli %while3A_90, %mul3A_91 : i32
      %get3A = arith.index_cast %mul3A_92 : i32 to index
      %get3A_93 = tpu.vector_load %arg7[%get3A] {strides = array<i32>} : memref<16528xi32, #tpu.memory_space<vmem>>, vector<16xi32>,
      %sub3A_94 = vector.broadcast %mul3A_2 : i32 to vector<16xi32>
      %sub3A_95 = arith.subi %get3A_93, %sub3A_94 : vector<16xi32>
      %jit3A_96 = arith.constant 0 : i32
      %jit3A_97 = arith.constant 31249 : i32
      %max3A = vector.broadcast %jit3A_96 : i32 to vector<16xi32>
      %max3A_98 = arith.maxsi %max3A, %sub3A_95 : vector<16xi32>
      %min3A = vector.broadcast %jit3A_97 : i32 to vector<16xi32>
      %min3A_99 = arith.minsi %min3A, %max3A_98 : vector<16xi32>
      %gather3A = tpu.vector_load_idx %arg10[%min3A_99] : memref<31266xi32, #tpu.memory_space<vmem>>[vector<16xi32>], vector<16xi32>,
      %jit3A_100 = arith.constant 0 : i32
      %jit3A_101 = arith.constant 16383 : i32
      %max3A_102 = vector.broadcast %jit3A_100 : i32 to vector<16xi32>
      %max3A_103 = arith.maxsi %max3A_102, %gather3A : vector<16xi32>
      %min3A_104 = vector.broadcast %jit3A_101 : i32 to vector<16xi32>
      %min3A_105 = arith.minsi %min3A_104, %max3A_103 : vector<16xi32>
      %gather3A_106 = tpu.vector_load_idx %arg8[%min3A_105] : memref<16528xi32, #tpu.memory_space<vmem>>[vector<16xi32>], vector<16xi32>,
      %swap3A = arith.index_cast %mul3A_92 : i32 to index
      %swap3A_107 = tpu.vector_load %arg9[%swap3A] {strides = array<i32>} : memref<16528xi32, #tpu.memory_space<vmem>>, vector<16xi32>,
      tpu.vector_store %arg9[%swap3A], %gather3A_106 {strides = array<i32>} : memref<16528xi32, #tpu.memory_space<vmem>>, vector<16xi32>,
    }
    %while3A_49 = arith.constant 1 : i32
    scf.for %while3A_90 = %while3A_47 to %while3A_43 step %while3A_49  : i32 {
      %mul3A_91 = arith.constant 16 : i32
      %mul3A_92 = arith.muli %while3A_90, %mul3A_91 : i32
      %get3A = arith.index_cast %mul3A_92 : i32 to index
      %get3A_93 = tpu.vector_load %arg7[%get3A] {strides = array<i32>} : memref<16528xi32, #tpu.memory_space<vmem>>, vector<16xi32>,
      %sub3A_94 = vector.broadcast %mul3A_2 : i32 to vector<16xi32>
      %sub3A_95 = arith.subi %get3A_93, %sub3A_94 : vector<16xi32>
      %jit3A_96 = arith.constant 0 : i32
      %jit3A_97 = arith.constant 31249 : i32
      %max3A = vector.broadcast %jit3A_96 : i32 to vector<16xi32>
      %max3A_98 = arith.maxsi %max3A, %sub3A_95 : vector<16xi32>
      %min3A = vector.broadcast %jit3A_97 : i32 to vector<16xi32>
      %min3A_99 = arith.minsi %min3A, %max3A_98 : vector<16xi32>
      %gather3A = tpu.vector_load_idx %arg10[%min3A_99] : memref<31266xi32, #tpu.memory_space<vmem>>[vector<16xi32>], vector<16xi32>,
      %jit3A_100 = arith.constant 0 : i32
      %jit3A_101 = arith.constant 16383 : i32
      %max3A_102 = vector.broadcast %jit3A_100 : i32 to vector<16xi32>
      %max3A_103 = arith.maxsi %max3A_102, %gather3A : vector<16xi32>
      %min3A_104 = vector.broadcast %jit3A_101 : i32 to vector<16xi32>
      %min3A_105 = arith.minsi %min3A_104, %max3A_103 : vector<16xi32>
      %gather3A_106 = tpu.vector_load_idx %arg8[%min3A_105] : memref<16528xi32, #tpu.memory_space<vmem>>[vector<16xi32>], vector<16xi32>,
      %swap3A = arith.index_cast %mul3A_92 : i32 to index
      %swap3A_107 = tpu.vector_load %arg9[%swap3A] {strides = array<i32>} : memref<16528xi32, #tpu.memory_space<vmem>>, vector<16xi32>,
      tpu.vector_store %arg9[%swap3A], %gather3A_106 {strides = array<i32>} : memref<16528xi32, #tpu.memory_space<vmem>>, vector<16xi32>,
    }
    %gt3A = arith.constant 0 : i32
    %gt3A_50 = arith.cmpi sgt, %scan3A_9, %gt3A : i32
    %convert_element_type3A = arith.extui %gt3A_50 : i1 to i32
    %cond3A = arith.constant 0 : i32
    %cond3A_51 = arith.cmpi ne, %convert_element_type3A, %cond3A : i32
    scf.if %cond3A_51 {
      %get3A = arith.constant 0 : index
      %get3A_90 = tpu.vector_load %arg7[%get3A] {strides = array<i32>} : memref<16528xi32, #tpu.memory_space<vmem>>, vector<16xi32>,
      %slice3A = vector.extract_strided_slice %get3A_90 {offsets = [0], sizes = [1], strides = [1]} : vector<16xi32> to vector<1xi32>
      %squeeze3A = vector.extract %slice3A[0] : i32 from vector<1xi32>
      %broadcast_in_dim3A = vector.broadcast %squeeze3A : i32 to vector<16xi32>
      %get3A_91 = arith.constant 0 : index
      %get3A_92 = tpu.vector_load %arg9[%get3A_91] {strides = array<i32>} : memref<16528xi32, #tpu.memory_space<vmem>>, vector<16xi32>,
      %slice3A_93 = vector.extract_strided_slice %get3A_92 {offsets = [0], sizes = [1], strides = [1]} : vector<16xi32> to vector<1xi32>
      %squeeze3A_94 = vector.extract %slice3A_93[0] : i32 from vector<1xi32>
      %broadcast_in_dim3A_95 = vector.broadcast %squeeze3A_94 : i32 to vector<16xi32>
      %add3A_96 = arith.constant 0 : i32
      %add3A_97 = arith.addi %scan3A_9, %add3A_96 : i32
      %swap3A = arith.index_cast %add3A_97 : i32 to index
      %swap3A_98 = tpu.vector_load %arg7[%swap3A] {strides = array<i32>} : memref<16528xi32, #tpu.memory_space<vmem>>, vector<16xi32>,
      tpu.vector_store %arg7[%swap3A], %broadcast_in_dim3A {strides = array<i32>} : memref<16528xi32, #tpu.memory_space<vmem>>, vector<16xi32>,
      %add3A_99 = arith.constant 0 : i32
      %add3A_100 = arith.addi %scan3A_9, %add3A_99 : i32
      %swap3A_101 = arith.index_cast %add3A_100 : i32 to index
      %swap3A_102 = tpu.vector_load %arg9[%swap3A_101] {strides = array<i32>} : memref<16528xi32, #tpu.memory_space<vmem>>, vector<16xi32>,
      tpu.vector_store %arg9[%swap3A_101], %broadcast_in_dim3A_95 {strides = array<i32>} : memref<16528xi32, #tpu.memory_space<vmem>>, vector<16xi32>,
      %add3A_103 = arith.constant 16 : i32
      %add3A_104 = arith.addi %scan3A_9, %add3A_103 : i32
      %swap3A_105 = arith.index_cast %add3A_104 : i32 to index
      %swap3A_106 = tpu.vector_load %arg7[%swap3A_105] {strides = array<i32>} : memref<16528xi32, #tpu.memory_space<vmem>>, vector<16xi32>,
      tpu.vector_store %arg7[%swap3A_105], %broadcast_in_dim3A {strides = array<i32>} : memref<16528xi32, #tpu.memory_space<vmem>>, vector<16xi32>,
      %add3A_107 = arith.constant 16 : i32
      %add3A_108 = arith.addi %scan3A_9, %add3A_107 : i32
      %swap3A_109 = arith.index_cast %add3A_108 : i32 to index
      %swap3A_110 = tpu.vector_load %arg9[%swap3A_109] {strides = array<i32>} : memref<16528xi32, #tpu.memory_space<vmem>>, vector<16xi32>,
      tpu.vector_store %arg9[%swap3A_109], %broadcast_in_dim3A_95 {strides = array<i32>} : memref<16528xi32, #tpu.memory_space<vmem>>, vector<16xi32>,
      %add3A_111 = arith.constant 32 : i32
      %add3A_112 = arith.addi %scan3A_9, %add3A_111 : i32
      %swap3A_113 = arith.index_cast %add3A_112 : i32 to index
      %swap3A_114 = tpu.vector_load %arg7[%swap3A_113] {strides = array<i32>} : memref<16528xi32, #tpu.memory_space<vmem>>, vector<16xi32>,
      tpu.vector_store %arg7[%swap3A_113], %broadcast_in_dim3A {strides = array<i32>} : memref<16528xi32, #tpu.memory_space<vmem>>, vector<16xi32>,
      %add3A_115 = arith.constant 32 : i32
      %add3A_116 = arith.addi %scan3A_9, %add3A_115 : i32
      %swap3A_117 = arith.index_cast %add3A_116 : i32 to index
      %swap3A_118 = tpu.vector_load %arg9[%swap3A_117] {strides = array<i32>} : memref<16528xi32, #tpu.memory_space<vmem>>, vector<16xi32>,
      tpu.vector_store %arg9[%swap3A_117], %broadcast_in_dim3A_95 {strides = array<i32>} : memref<16528xi32, #tpu.memory_space<vmem>>, vector<16xi32>,
      %add3A_119 = arith.constant 48 : i32
      %add3A_120 = arith.addi %scan3A_9, %add3A_119 : i32
      %swap3A_121 = arith.index_cast %add3A_120 : i32 to index
      %swap3A_122 = tpu.vector_load %arg7[%swap3A_121] {strides = array<i32>} : memref<16528xi32, #tpu.memory_space<vmem>>, vector<16xi32>,
      tpu.vector_store %arg7[%swap3A_121], %broadcast_in_dim3A {strides = array<i32>} : memref<16528xi32, #tpu.memory_space<vmem>>, vector<16xi32>,
      %add3A_123 = arith.constant 48 : i32
      %add3A_124 = arith.addi %scan3A_9, %add3A_123 : i32
      %swap3A_125 = arith.index_cast %add3A_124 : i32 to index
      %swap3A_126 = tpu.vector_load %arg9[%swap3A_125] {strides = array<i32>} : memref<16528xi32, #tpu.memory_space<vmem>>, vector<16xi32>,
      tpu.vector_store %arg9[%swap3A_125], %broadcast_in_dim3A_95 {strides = array<i32>} : memref<16528xi32, #tpu.memory_space<vmem>>, vector<16xi32>,
      %add3A_127 = arith.constant 64 : i32
      %add3A_128 = arith.addi %scan3A_9, %add3A_127 : i32
      %swap3A_129 = arith.index_cast %add3A_128 : i32 to index
      %swap3A_130 = tpu.vector_load %arg7[%swap3A_129] {strides = array<i32>} : memref<16528xi32, #tpu.memory_space<vmem>>, vector<16xi32>,
      tpu.vector_store %arg7[%swap3A_129], %broadcast_in_dim3A {strides = array<i32>} : memref<16528xi32, #tpu.memory_space<vmem>>, vector<16xi32>,
      %add3A_131 = arith.constant 64 : i32
      %add3A_132 = arith.addi %scan3A_9, %add3A_131 : i32
      %swap3A_133 = arith.index_cast %add3A_132 : i32 to index
      %swap3A_134 = tpu.vector_load %arg9[%swap3A_133] {strides = array<i32>} : memref<16528xi32, #tpu.memory_space<vmem>>, vector<16xi32>,
      tpu.vector_store %arg9[%swap3A_133], %broadcast_in_dim3A_95 {strides = array<i32>} : memref<16528xi32, #tpu.memory_space<vmem>>, vector<16xi32>,
      %add3A_135 = arith.constant 80 : i32
      %add3A_136 = arith.addi %scan3A_9, %add3A_135 : i32
      %swap3A_137 = arith.index_cast %add3A_136 : i32 to index
      %swap3A_138 = tpu.vector_load %arg7[%swap3A_137] {strides = array<i32>} : memref<16528xi32, #tpu.memory_space<vmem>>, vector<16xi32>,
      tpu.vector_store %arg7[%swap3A_137], %broadcast_in_dim3A {strides = array<i32>} : memref<16528xi32, #tpu.memory_space<vmem>>, vector<16xi32>,
      %add3A_139 = arith.constant 80 : i32
      %add3A_140 = arith.addi %scan3A_9, %add3A_139 : i32
      %swap3A_141 = arith.index_cast %add3A_140 : i32 to index
      %swap3A_142 = tpu.vector_load %arg9[%swap3A_141] {strides = array<i32>} : memref<16528xi32, #tpu.memory_space<vmem>>, vector<16xi32>,
      tpu.vector_store %arg9[%swap3A_141], %broadcast_in_dim3A_95 {strides = array<i32>} : memref<16528xi32, #tpu.memory_space<vmem>>, vector<16xi32>,
      %add3A_143 = arith.constant 96 : i32
      %add3A_144 = arith.addi %scan3A_9, %add3A_143 : i32
      %swap3A_145 = arith.index_cast %add3A_144 : i32 to index
      %swap3A_146 = tpu.vector_load %arg7[%swap3A_145] {strides = array<i32>} : memref<16528xi32, #tpu.memory_space<vmem>>, vector<16xi32>,
      tpu.vector_store %arg7[%swap3A_145], %broadcast_in_dim3A {strides = array<i32>} : memref<16528xi32, #tpu.memory_space<vmem>>, vector<16xi32>,
      %add3A_147 = arith.constant 96 : i32
      %add3A_148 = arith.addi %scan3A_9, %add3A_147 : i32
      %swap3A_149 = arith.index_cast %add3A_148 : i32 to index
      %swap3A_150 = tpu.vector_load %arg9[%swap3A_149] {strides = array<i32>} : memref<16528xi32, #tpu.memory_space<vmem>>, vector<16xi32>,
      tpu.vector_store %arg9[%swap3A_149], %broadcast_in_dim3A_95 {strides = array<i32>} : memref<16528xi32, #tpu.memory_space<vmem>>, vector<16xi32>,
      %add3A_151 = arith.constant 112 : i32
      %add3A_152 = arith.addi %scan3A_9, %add3A_151 : i32
      %swap3A_153 = arith.index_cast %add3A_152 : i32 to index
      %swap3A_154 = tpu.vector_load %arg7[%swap3A_153] {strides = array<i32>} : memref<16528xi32, #tpu.memory_space<vmem>>, vector<16xi32>,
      tpu.vector_store %arg7[%swap3A_153], %broadcast_in_dim3A {strides = array<i32>} : memref<16528xi32, #tpu.memory_space<vmem>>, vector<16xi32>,
      %add3A_155 = arith.constant 112 : i32
      %add3A_156 = arith.addi %scan3A_9, %add3A_155 : i32
      %swap3A_157 = arith.index_cast %add3A_156 : i32 to index
      %swap3A_158 = tpu.vector_load %arg9[%swap3A_157] {strides = array<i32>} : memref<16528xi32, #tpu.memory_space<vmem>>, vector<16xi32>,
      tpu.vector_store %arg9[%swap3A_157], %broadcast_in_dim3A_95 {strides = array<i32>} : memref<16528xi32, #tpu.memory_space<vmem>>, vector<16xi32>,
    } else {
    }
    %add3A_52 = arith.constant 128 : i32
    %add3A_53 = arith.addi %scan3A_9, %add3A_52 : i32
    %sub3A_54 = arith.constant 1 : i32
    %sub3A_55 = arith.subi %add3A_53, %sub3A_54 : i32
    %jit3A_56 = arith.constant 128 : i32
    %div3A_57 = arith.divsi %sub3A_55, %jit3A_56 : i32
    %sign3A_58 = arith.constant 0 : i32
    %sign3A_59 = arith.cmpi sgt, %sub3A_55, %sign3A_58 : i32
    %sign3A_60 = arith.extui %sign3A_59 : i1 to i32
    %sign3A_61 = arith.constant 0 : i32
    %sign3A_62 = arith.cmpi slt, %sub3A_55, %sign3A_61 : i32
    %sign3A_63 = arith.extui %sign3A_62 : i1 to i32
    %sign3A_64 = arith.subi %sign3A_60, %sign3A_63 : i32
    %sign3A_65 = arith.constant 0 : i32
    %sign3A_66 = arith.cmpi sgt, %jit3A_56, %sign3A_65 : i32
    %sign3A_67 = arith.extui %sign3A_66 : i1 to i32
    %sign3A_68 = arith.constant 0 : i32
    %sign3A_69 = arith.cmpi slt, %jit3A_56, %sign3A_68 : i32
    %sign3A_70 = arith.extui %sign3A_69 : i1 to i32
    %sign3A_71 = arith.subi %sign3A_67, %sign3A_70 : i32
    %ne3A_72 = arith.cmpi ne, %sign3A_64, %sign3A_71 : i32
    %rem3A_73 = arith.remsi %sub3A_55, %jit3A_56 : i32
    %ne3A_74 = arith.constant 0 : i32
    %ne3A_75 = arith.cmpi ne, %rem3A_73, %ne3A_74 : i32
    %and3A_76 = arith.andi %ne3A_72, %ne3A_75 : i1
    %sub3A_77 = arith.constant 1 : i32
    %sub3A_78 = arith.subi %div3A_57, %sub3A_77 : i32
    %select_n3A_79 = arith.select %and3A_76, %sub3A_78, %div3A_57 : i32
    %while3A_80 = arith.constant 0 : i32
    %while3A_81 = arith.constant 0 : i32
    %while3A_82 = arith.subi %select_n3A_79, %while3A_81 : i32
    %while3A_83 = arith.addi %while3A_81, %while3A_82 : i32
    %while3A_84 = arith.constant 1 : i32
    %while3A_85 = arith.divsi %while3A_82, %while3A_84 : i32
    %while3A_86 = arith.muli %while3A_85, %while3A_84 : i32
    %while3A_87 = arith.addi %while3A_81, %while3A_86 : i32
    %while3A_88 = arith.constant 1 : i32
    scf.for %while3A_90 = %while3A_81 to %while3A_87 step %while3A_88  : i32 {
      %mul3A_91 = arith.constant 128 : i32
      %mul3A_92 = arith.muli %while3A_90, %mul3A_91 : i32
      %add3A_93 = arith.constant 0 : i32
      %add3A_94 = arith.addi %mul3A_92, %add3A_93 : i32
      %get3A = arith.index_cast %add3A_94 : i32 to index
      %get3A_95 = tpu.vector_load %arg7[%get3A] {strides = array<i32>} : memref<16528xi32, #tpu.memory_space<vmem>>, vector<16xi32>,
      %jit3A_96 = arith.constant 0 : i32
      %jit3A_97 = arith.constant 999999 : i32
      %max3A = vector.broadcast %jit3A_96 : i32 to vector<16xi32>
      %max3A_98 = arith.maxsi %max3A, %get3A_95 : vector<16xi32>
      %min3A = vector.broadcast %jit3A_97 : i32 to vector<16xi32>
      %min3A_99 = arith.minsi %min3A, %max3A_98 : vector<16xi32>
      %swap3A = arith.constant 0 : index
      %swap3A_100 = tpu.vector_load %arg11[%swap3A] {strides = array<i32>} : memref<128xi32, #tpu.memory_space<vmem>>, vector<16xi32>,
      tpu.vector_store %arg11[%swap3A], %min3A_99 {strides = array<i32>} : memref<128xi32, #tpu.memory_space<vmem>>, vector<16xi32>,
      %get3A_101 = arith.index_cast %add3A_94 : i32 to index
      %get3A_102 = tpu.vector_load %arg9[%get3A_101] {strides = array<i32>} : memref<16528xi32, #tpu.memory_space<vmem>>, vector<16xi32>,
      %jit3A_103 = arith.constant 0 : i32
      %jit3A_104 = arith.constant 16383 : i32
      %max3A_105 = vector.broadcast %jit3A_103 : i32 to vector<16xi32>
      %max3A_106 = arith.maxsi %max3A_105, %get3A_102 : vector<16xi32>
      %min3A_107 = vector.broadcast %jit3A_104 : i32 to vector<16xi32>
      %min3A_108 = arith.minsi %min3A_107, %max3A_106 : vector<16xi32>
      %swap3A_109 = arith.constant 0 : index
      %swap3A_110 = tpu.vector_load %arg12[%swap3A_109] {strides = array<i32>} : memref<128xi32, #tpu.memory_space<vmem>>, vector<16xi32>,
      tpu.vector_store %arg12[%swap3A_109], %min3A_108 {strides = array<i32>} : memref<128xi32, #tpu.memory_space<vmem>>, vector<16xi32>,
      %mul3A_111 = arith.constant 128 : i32
      %mul3A_112 = arith.muli %while3A_90, %mul3A_111 : i32
      %add3A_113 = arith.constant 16 : i32
      %add3A_114 = arith.addi %mul3A_112, %add3A_113 : i32
      %get3A_115 = arith.index_cast %add3A_114 : i32 to index
      %get3A_116 = tpu.vector_load %arg7[%get3A_115] {strides = array<i32>} : memref<16528xi32, #tpu.memory_space<vmem>>, vector<16xi32>,
      %jit3A_117 = arith.constant 0 : i32
      %jit3A_118 = arith.constant 999999 : i32
      %max3A_119 = vector.broadcast %jit3A_117 : i32 to vector<16xi32>
      %max3A_120 = arith.maxsi %max3A_119, %get3A_116 : vector<16xi32>
      %min3A_121 = vector.broadcast %jit3A_118 : i32 to vector<16xi32>
      %min3A_122 = arith.minsi %min3A_121, %max3A_120 : vector<16xi32>
      %swap3A_123 = arith.constant 16 : index
      %swap3A_124 = tpu.vector_load %arg11[%swap3A_123] {strides = array<i32>} : memref<128xi32, #tpu.memory_space<vmem>>, vector<16xi32>,
      tpu.vector_store %arg11[%swap3A_123], %min3A_122 {strides = array<i32>} : memref<128xi32, #tpu.memory_space<vmem>>, vector<16xi32>,
      %get3A_125 = arith.index_cast %add3A_114 : i32 to index
      %get3A_126 = tpu.vector_load %arg9[%get3A_125] {strides = array<i32>} : memref<16528xi32, #tpu.memory_space<vmem>>, vector<16xi32>,
      %jit3A_127 = arith.constant 0 : i32
      %jit3A_128 = arith.constant 16383 : i32
      %max3A_129 = vector.broadcast %jit3A_127 : i32 to vector<16xi32>
      %max3A_130 = arith.maxsi %max3A_129, %get3A_126 : vector<16xi32>
      %min3A_131 = vector.broadcast %jit3A_128 : i32 to vector<16xi32>
      %min3A_132 = arith.minsi %min3A_131, %max3A_130 : vector<16xi32>
      %swap3A_133 = arith.constant 16 : index
      %swap3A_134 = tpu.vector_load %arg12[%swap3A_133] {strides = array<i32>} : memref<128xi32, #tpu.memory_space<vmem>>, vector<16xi32>,
      tpu.vector_store %arg12[%swap3A_133], %min3A_132 {strides = array<i32>} : memref<128xi32, #tpu.memory_space<vmem>>, vector<16xi32>,
      %mul3A_135 = arith.constant 128 : i32
      %mul3A_136 = arith.muli %while3A_90, %mul3A_135 : i32
      %add3A_137 = arith.constant 32 : i32
      %add3A_138 = arith.addi %mul3A_136, %add3A_137 : i32
      %get3A_139 = arith.index_cast %add3A_138 : i32 to index
      %get3A_140 = tpu.vector_load %arg7[%get3A_139] {strides = array<i32>} : memref<16528xi32, #tpu.memory_space<vmem>>, vector<16xi32>,
      %jit3A_141 = arith.constant 0 : i32
      %jit3A_142 = arith.constant 999999 : i32
      %max3A_143 = vector.broadcast %jit3A_141 : i32 to vector<16xi32>
      %max3A_144 = arith.maxsi %max3A_143, %get3A_140 : vector<16xi32>
      %min3A_145 = vector.broadcast %jit3A_142 : i32 to vector<16xi32>
      %min3A_146 = arith.minsi %min3A_145, %max3A_144 : vector<16xi32>
      %swap3A_147 = arith.constant 32 : index
      %swap3A_148 = tpu.vector_load %arg11[%swap3A_147] {strides = array<i32>} : memref<128xi32, #tpu.memory_space<vmem>>, vector<16xi32>,
      tpu.vector_store %arg11[%swap3A_147], %min3A_146 {strides = array<i32>} : memref<128xi32, #tpu.memory_space<vmem>>, vector<16xi32>,
      %get3A_149 = arith.index_cast %add3A_138 : i32 to index
      %get3A_150 = tpu.vector_load %arg9[%get3A_149] {strides = array<i32>} : memref<16528xi32, #tpu.memory_space<vmem>>, vector<16xi32>,
      %jit3A_151 = arith.constant 0 : i32
      %jit3A_152 = arith.constant 16383 : i32
      %max3A_153 = vector.broadcast %jit3A_151 : i32 to vector<16xi32>
      %max3A_154 = arith.maxsi %max3A_153, %get3A_150 : vector<16xi32>
      %min3A_155 = vector.broadcast %jit3A_152 : i32 to vector<16xi32>
      %min3A_156 = arith.minsi %min3A_155, %max3A_154 : vector<16xi32>
      %swap3A_157 = arith.constant 32 : index
      %swap3A_158 = tpu.vector_load %arg12[%swap3A_157] {strides = array<i32>} : memref<128xi32, #tpu.memory_space<vmem>>, vector<16xi32>,
      tpu.vector_store %arg12[%swap3A_157], %min3A_156 {strides = array<i32>} : memref<128xi32, #tpu.memory_space<vmem>>, vector<16xi32>,
      %mul3A_159 = arith.constant 128 : i32
      %mul3A_160 = arith.muli %while3A_90, %mul3A_159 : i32
      %add3A_161 = arith.constant 48 : i32
      %add3A_162 = arith.addi %mul3A_160, %add3A_161 : i32
      %get3A_163 = arith.index_cast %add3A_162 : i32 to index
      %get3A_164 = tpu.vector_load %arg7[%get3A_163] {strides = array<i32>} : memref<16528xi32, #tpu.memory_space<vmem>>, vector<16xi32>,
      %jit3A_165 = arith.constant 0 : i32
      %jit3A_166 = arith.constant 999999 : i32
      %max3A_167 = vector.broadcast %jit3A_165 : i32 to vector<16xi32>
      %max3A_168 = arith.maxsi %max3A_167, %get3A_164 : vector<16xi32>
      %min3A_169 = vector.broadcast %jit3A_166 : i32 to vector<16xi32>
      %min3A_170 = arith.minsi %min3A_169, %max3A_168 : vector<16xi32>
      %swap3A_171 = arith.constant 48 : index
      %swap3A_172 = tpu.vector_load %arg11[%swap3A_171] {strides = array<i32>} : memref<128xi32, #tpu.memory_space<vmem>>, vector<16xi32>,
      tpu.vector_store %arg11[%swap3A_171], %min3A_170 {strides = array<i32>} : memref<128xi32, #tpu.memory_space<vmem>>, vector<16xi32>,
      %get3A_173 = arith.index_cast %add3A_162 : i32 to index
      %get3A_174 = tpu.vector_load %arg9[%get3A_173] {strides = array<i32>} : memref<16528xi32, #tpu.memory_space<vmem>>, vector<16xi32>,
      %jit3A_175 = arith.constant 0 : i32
      %jit3A_176 = arith.constant 16383 : i32
      %max3A_177 = vector.broadcast %jit3A_175 : i32 to vector<16xi32>
      %max3A_178 = arith.maxsi %max3A_177, %get3A_174 : vector<16xi32>
      %min3A_179 = vector.broadcast %jit3A_176 : i32 to vector<16xi32>
      %min3A_180 = arith.minsi %min3A_179, %max3A_178 : vector<16xi32>
      %swap3A_181 = arith.constant 48 : index
      %swap3A_182 = tpu.vector_load %arg12[%swap3A_181] {strides = array<i32>} : memref<128xi32, #tpu.memory_space<vmem>>, vector<16xi32>,
      tpu.vector_store %arg12[%swap3A_181], %min3A_180 {strides = array<i32>} : memref<128xi32, #tpu.memory_space<vmem>>, vector<16xi32>,
      %mul3A_183 = arith.constant 128 : i32
      %mul3A_184 = arith.muli %while3A_90, %mul3A_183 : i32
      %add3A_185 = arith.constant 64 : i32
      %add3A_186 = arith.addi %mul3A_184, %add3A_185 : i32
      %get3A_187 = arith.index_cast %add3A_186 : i32 to index
      %get3A_188 = tpu.vector_load %arg7[%get3A_187] {strides = array<i32>} : memref<16528xi32, #tpu.memory_space<vmem>>, vector<16xi32>,
      %jit3A_189 = arith.constant 0 : i32
      %jit3A_190 = arith.constant 999999 : i32
      %max3A_191 = vector.broadcast %jit3A_189 : i32 to vector<16xi32>
      %max3A_192 = arith.maxsi %max3A_191, %get3A_188 : vector<16xi32>
      %min3A_193 = vector.broadcast %jit3A_190 : i32 to vector<16xi32>
      %min3A_194 = arith.minsi %min3A_193, %max3A_192 : vector<16xi32>
      %swap3A_195 = arith.constant 64 : index
      %swap3A_196 = tpu.vector_load %arg11[%swap3A_195] {strides = array<i32>} : memref<128xi32, #tpu.memory_space<vmem>>, vector<16xi32>,
      tpu.vector_store %arg11[%swap3A_195], %min3A_194 {strides = array<i32>} : memref<128xi32, #tpu.memory_space<vmem>>, vector<16xi32>,
      %get3A_197 = arith.index_cast %add3A_186 : i32 to index
      %get3A_198 = tpu.vector_load %arg9[%get3A_197] {strides = array<i32>} : memref<16528xi32, #tpu.memory_space<vmem>>, vector<16xi32>,
      %jit3A_199 = arith.constant 0 : i32
      %jit3A_200 = arith.constant 16383 : i32
      %max3A_201 = vector.broadcast %jit3A_199 : i32 to vector<16xi32>
      %max3A_202 = arith.maxsi %max3A_201, %get3A_198 : vector<16xi32>
      %min3A_203 = vector.broadcast %jit3A_200 : i32 to vector<16xi32>
      %min3A_204 = arith.minsi %min3A_203, %max3A_202 : vector<16xi32>
      %swap3A_205 = arith.constant 64 : index
      %swap3A_206 = tpu.vector_load %arg12[%swap3A_205] {strides = array<i32>} : memref<128xi32, #tpu.memory_space<vmem>>, vector<16xi32>,
      tpu.vector_store %arg12[%swap3A_205], %min3A_204 {strides = array<i32>} : memref<128xi32, #tpu.memory_space<vmem>>, vector<16xi32>,
      %mul3A_207 = arith.constant 128 : i32
      %mul3A_208 = arith.muli %while3A_90, %mul3A_207 : i32
      %add3A_209 = arith.constant 80 : i32
      %add3A_210 = arith.addi %mul3A_208, %add3A_209 : i32
      %get3A_211 = arith.index_cast %add3A_210 : i32 to index
      %get3A_212 = tpu.vector_load %arg7[%get3A_211] {strides = array<i32>} : memref<16528xi32, #tpu.memory_space<vmem>>, vector<16xi32>,
      %jit3A_213 = arith.constant 0 : i32
      %jit3A_214 = arith.constant 999999 : i32
      %max3A_215 = vector.broadcast %jit3A_213 : i32 to vector<16xi32>
      %max3A_216 = arith.maxsi %max3A_215, %get3A_212 : vector<16xi32>
      %min3A_217 = vector.broadcast %jit3A_214 : i32 to vector<16xi32>
      %min3A_218 = arith.minsi %min3A_217, %max3A_216 : vector<16xi32>
      %swap3A_219 = arith.constant 80 : index
      %swap3A_220 = tpu.vector_load %arg11[%swap3A_219] {strides = array<i32>} : memref<128xi32, #tpu.memory_space<vmem>>, vector<16xi32>,
      tpu.vector_store %arg11[%swap3A_219], %min3A_218 {strides = array<i32>} : memref<128xi32, #tpu.memory_space<vmem>>, vector<16xi32>,
      %get3A_221 = arith.index_cast %add3A_210 : i32 to index
      %get3A_222 = tpu.vector_load %arg9[%get3A_221] {strides = array<i32>} : memref<16528xi32, #tpu.memory_space<vmem>>, vector<16xi32>,
      %jit3A_223 = arith.constant 0 : i32
      %jit3A_224 = arith.constant 16383 : i32
      %max3A_225 = vector.broadcast %jit3A_223 : i32 to vector<16xi32>
      %max3A_226 = arith.maxsi %max3A_225, %get3A_222 : vector<16xi32>
      %min3A_227 = vector.broadcast %jit3A_224 : i32 to vector<16xi32>
      %min3A_228 = arith.minsi %min3A_227, %max3A_226 : vector<16xi32>
      %swap3A_229 = arith.constant 80 : index
      %swap3A_230 = tpu.vector_load %arg12[%swap3A_229] {strides = array<i32>} : memref<128xi32, #tpu.memory_space<vmem>>, vector<16xi32>,
      tpu.vector_store %arg12[%swap3A_229], %min3A_228 {strides = array<i32>} : memref<128xi32, #tpu.memory_space<vmem>>, vector<16xi32>,
      %mul3A_231 = arith.constant 128 : i32
      %mul3A_232 = arith.muli %while3A_90, %mul3A_231 : i32
      %add3A_233 = arith.constant 96 : i32
      %add3A_234 = arith.addi %mul3A_232, %add3A_233 : i32
      %get3A_235 = arith.index_cast %add3A_234 : i32 to index
      %get3A_236 = tpu.vector_load %arg7[%get3A_235] {strides = array<i32>} : memref<16528xi32, #tpu.memory_space<vmem>>, vector<16xi32>,
      %jit3A_237 = arith.constant 0 : i32
      %jit3A_238 = arith.constant 999999 : i32
      %max3A_239 = vector.broadcast %jit3A_237 : i32 to vector<16xi32>
      %max3A_240 = arith.maxsi %max3A_239, %get3A_236 : vector<16xi32>
      %min3A_241 = vector.broadcast %jit3A_238 : i32 to vector<16xi32>
      %min3A_242 = arith.minsi %min3A_241, %max3A_240 : vector<16xi32>
      %swap3A_243 = arith.constant 96 : index
      %swap3A_244 = tpu.vector_load %arg11[%swap3A_243] {strides = array<i32>} : memref<128xi32, #tpu.memory_space<vmem>>, vector<16xi32>,
      tpu.vector_store %arg11[%swap3A_243], %min3A_242 {strides = array<i32>} : memref<128xi32, #tpu.memory_space<vmem>>, vector<16xi32>,
      %get3A_245 = arith.index_cast %add3A_234 : i32 to index
      %get3A_246 = tpu.vector_load %arg9[%get3A_245] {strides = array<i32>} : memref<16528xi32, #tpu.memory_space<vmem>>, vector<16xi32>,
      %jit3A_247 = arith.constant 0 : i32
      %jit3A_248 = arith.constant 16383 : i32
      %max3A_249 = vector.broadcast %jit3A_247 : i32 to vector<16xi32>
      %max3A_250 = arith.maxsi %max3A_249, %get3A_246 : vector<16xi32>
      %min3A_251 = vector.broadcast %jit3A_248 : i32 to vector<16xi32>
      %min3A_252 = arith.minsi %min3A_251, %max3A_250 : vector<16xi32>
      %swap3A_253 = arith.constant 96 : index
      %swap3A_254 = tpu.vector_load %arg12[%swap3A_253] {strides = array<i32>} : memref<128xi32, #tpu.memory_space<vmem>>, vector<16xi32>,
      tpu.vector_store %arg12[%swap3A_253], %min3A_252 {strides = array<i32>} : memref<128xi32, #tpu.memory_space<vmem>>, vector<16xi32>,
      %mul3A_255 = arith.constant 128 : i32
      %mul3A_256 = arith.muli %while3A_90, %mul3A_255 : i32
      %add3A_257 = arith.constant 112 : i32
      %add3A_258 = arith.addi %mul3A_256, %add3A_257 : i32
      %get3A_259 = arith.index_cast %add3A_258 : i32 to index
      %get3A_260 = tpu.vector_load %arg7[%get3A_259] {strides = array<i32>} : memref<16528xi32, #tpu.memory_space<vmem>>, vector<16xi32>,
      %jit3A_261 = arith.constant 0 : i32
      %jit3A_262 = arith.constant 999999 : i32
      %max3A_263 = vector.broadcast %jit3A_261 : i32 to vector<16xi32>
      %max3A_264 = arith.maxsi %max3A_263, %get3A_260 : vector<16xi32>
      %min3A_265 = vector.broadcast %jit3A_262 : i32 to vector<16xi32>
      %min3A_266 = arith.minsi %min3A_265, %max3A_264 : vector<16xi32>
      %swap3A_267 = arith.constant 112 : index
      %swap3A_268 = tpu.vector_load %arg11[%swap3A_267] {strides = array<i32>} : memref<128xi32, #tpu.memory_space<vmem>>, vector<16xi32>,
      tpu.vector_store %arg11[%swap3A_267], %min3A_266 {strides = array<i32>} : memref<128xi32, #tpu.memory_space<vmem>>, vector<16xi32>,
      %get3A_269 = arith.index_cast %add3A_258 : i32 to index
      %get3A_270 = tpu.vector_load %arg9[%get3A_269] {strides = array<i32>} : memref<16528xi32, #tpu.memory_space<vmem>>, vector<16xi32>,
      %jit3A_271 = arith.constant 0 : i32
      %jit3A_272 = arith.constant 16383 : i32
      %max3A_273 = vector.broadcast %jit3A_271 : i32 to vector<16xi32>
      %max3A_274 = arith.maxsi %max3A_273, %get3A_270 : vector<16xi32>
      %min3A_275 = vector.broadcast %jit3A_272 : i32 to vector<16xi32>
      %min3A_276 = arith.minsi %min3A_275, %max3A_274 : vector<16xi32>
      %swap3A_277 = arith.constant 112 : index
      %swap3A_278 = tpu.vector_load %arg12[%swap3A_277] {strides = array<i32>} : memref<128xi32, #tpu.memory_space<vmem>>, vector<16xi32>,
      tpu.vector_store %arg12[%swap3A_277], %min3A_276 {strides = array<i32>} : memref<128xi32, #tpu.memory_space<vmem>>, vector<16xi32>,
      %dma_start3A = arith.constant 0 : i32
      %dma_start3A_279 = arith.constant 0 : i32
      %dma_start3A_280 = tpu.memref_slice %arg4[%dma_start3A, %dma_start3A_279] : memref<16384x32xf32, #tpu.memory_space<hbm>> -> memref<16384x32xf32, #tpu.memory_space<hbm>>
      tpu.enqueue_indirect_dma source(%dma_start3A_280 : memref<16384x32xf32, #tpu.memory_space<hbm>>) target(%arg13 : memref<128x32xf32, #tpu.memory_space<vmem>>) offsets(%arg12 : memref<128xi32, #tpu.memory_space<vmem>>) semaphore(%arg14 : memref<!tpu.dma_semaphore, #tpu.memory_space<semaphore_mem>>)
      %dma_wait3A = arith.constant 0 : i32
      %dma_wait3A_281 = arith.constant 0 : i32
      %dma_wait3A_282 = tpu.memref_slice %arg4[%dma_wait3A, %dma_wait3A_281] : memref<16384x32xf32, #tpu.memory_space<hbm>> -> memref<16384x32xf32, #tpu.memory_space<hbm>>
      tpu.wait_indirect_dma semaphore(%arg14 : memref<!tpu.dma_semaphore, #tpu.memory_space<semaphore_mem>>) src(%dma_wait3A_282 : memref<16384x32xf32, #tpu.memory_space<hbm>>) dst(%arg13 : memref<128x32xf32, #tpu.memory_space<vmem>>)
      %dma_start3A_283 = arith.constant 0 : i32
      %dma_start3A_284 = arith.constant 0 : i32
      %dma_start3A_285 = tpu.memref_slice %arg5[%dma_start3A_283, %dma_start3A_284] : memref<1000000x32xf32, #tpu.memory_space<hbm>> -> memref<1000000x32xf32, #tpu.memory_space<hbm>>
      tpu.enqueue_indirect_dma source(%arg13 : memref<128x32xf32, #tpu.memory_space<vmem>>) target(%dma_start3A_285 : memref<1000000x32xf32, #tpu.memory_space<hbm>>) offsets(%arg11 : memref<128xi32, #tpu.memory_space<vmem>>) semaphore(%arg15 : memref<!tpu.dma_semaphore, #tpu.memory_space<semaphore_mem>>)
      %dma_wait3A_286 = arith.constant 0 : i32
      %dma_wait3A_287 = arith.constant 0 : i32
      %dma_wait3A_288 = tpu.memref_slice %arg5[%dma_wait3A_286, %dma_wait3A_287] : memref<1000000x32xf32, #tpu.memory_space<hbm>> -> memref<1000000x32xf32, #tpu.memory_space<hbm>>
      tpu.wait_indirect_dma semaphore(%arg15 : memref<!tpu.dma_semaphore, #tpu.memory_space<semaphore_mem>>) src(%arg13 : memref<128x32xf32, #tpu.memory_space<vmem>>) dst(%dma_wait3A_288 : memref<1000000x32xf32, #tpu.memory_space<hbm>>)
    }
    %while3A_89 = arith.constant 1 : i32
    scf.for %while3A_90 = %while3A_87 to %while3A_83 step %while3A_89  : i32 {
      %mul3A_91 = arith.constant 128 : i32
      %mul3A_92 = arith.muli %while3A_90, %mul3A_91 : i32
      %add3A_93 = arith.constant 0 : i32
      %add3A_94 = arith.addi %mul3A_92, %add3A_93 : i32
      %get3A = arith.index_cast %add3A_94 : i32 to index
      %get3A_95 = tpu.vector_load %arg7[%get3A] {strides = array<i32>} : memref<16528xi32, #tpu.memory_space<vmem>>, vector<16xi32>,
      %jit3A_96 = arith.constant 0 : i32
      %jit3A_97 = arith.constant 999999 : i32
      %max3A = vector.broadcast %jit3A_96 : i32 to vector<16xi32>
      %max3A_98 = arith.maxsi %max3A, %get3A_95 : vector<16xi32>
      %min3A = vector.broadcast %jit3A_97 : i32 to vector<16xi32>
      %min3A_99 = arith.minsi %min3A, %max3A_98 : vector<16xi32>
      %swap3A = arith.constant 0 : index
      %swap3A_100 = tpu.vector_load %arg11[%swap3A] {strides = array<i32>} : memref<128xi32, #tpu.memory_space<vmem>>, vector<16xi32>,
      tpu.vector_store %arg11[%swap3A], %min3A_99 {strides = array<i32>} : memref<128xi32, #tpu.memory_space<vmem>>, vector<16xi32>,
      %get3A_101 = arith.index_cast %add3A_94 : i32 to index
      %get3A_102 = tpu.vector_load %arg9[%get3A_101] {strides = array<i32>} : memref<16528xi32, #tpu.memory_space<vmem>>, vector<16xi32>,
      %jit3A_103 = arith.constant 0 : i32
      %jit3A_104 = arith.constant 16383 : i32
      %max3A_105 = vector.broadcast %jit3A_103 : i32 to vector<16xi32>
      %max3A_106 = arith.maxsi %max3A_105, %get3A_102 : vector<16xi32>
      %min3A_107 = vector.broadcast %jit3A_104 : i32 to vector<16xi32>
      %min3A_108 = arith.minsi %min3A_107, %max3A_106 : vector<16xi32>
      %swap3A_109 = arith.constant 0 : index
      %swap3A_110 = tpu.vector_load %arg12[%swap3A_109] {strides = array<i32>} : memref<128xi32, #tpu.memory_space<vmem>>, vector<16xi32>,
      tpu.vector_store %arg12[%swap3A_109], %min3A_108 {strides = array<i32>} : memref<128xi32, #tpu.memory_space<vmem>>, vector<16xi32>,
      %mul3A_111 = arith.constant 128 : i32
      %mul3A_112 = arith.muli %while3A_90, %mul3A_111 : i32
      %add3A_113 = arith.constant 16 : i32
      %add3A_114 = arith.addi %mul3A_112, %add3A_113 : i32
      %get3A_115 = arith.index_cast %add3A_114 : i32 to index
      %get3A_116 = tpu.vector_load %arg7[%get3A_115] {strides = array<i32>} : memref<16528xi32, #tpu.memory_space<vmem>>, vector<16xi32>,
      %jit3A_117 = arith.constant 0 : i32
      %jit3A_118 = arith.constant 999999 : i32
      %max3A_119 = vector.broadcast %jit3A_117 : i32 to vector<16xi32>
      %max3A_120 = arith.maxsi %max3A_119, %get3A_116 : vector<16xi32>
      %min3A_121 = vector.broadcast %jit3A_118 : i32 to vector<16xi32>
      %min3A_122 = arith.minsi %min3A_121, %max3A_120 : vector<16xi32>
      %swap3A_123 = arith.constant 16 : index
      %swap3A_124 = tpu.vector_load %arg11[%swap3A_123] {strides = array<i32>} : memref<128xi32, #tpu.memory_space<vmem>>, vector<16xi32>,
      tpu.vector_store %arg11[%swap3A_123], %min3A_122 {strides = array<i32>} : memref<128xi32, #tpu.memory_space<vmem>>, vector<16xi32>,
      %get3A_125 = arith.index_cast %add3A_114 : i32 to index
      %get3A_126 = tpu.vector_load %arg9[%get3A_125] {strides = array<i32>} : memref<16528xi32, #tpu.memory_space<vmem>>, vector<16xi32>,
      %jit3A_127 = arith.constant 0 : i32
      %jit3A_128 = arith.constant 16383 : i32
      %max3A_129 = vector.broadcast %jit3A_127 : i32 to vector<16xi32>
      %max3A_130 = arith.maxsi %max3A_129, %get3A_126 : vector<16xi32>
      %min3A_131 = vector.broadcast %jit3A_128 : i32 to vector<16xi32>
      %min3A_132 = arith.minsi %min3A_131, %max3A_130 : vector<16xi32>
      %swap3A_133 = arith.constant 16 : index
      %swap3A_134 = tpu.vector_load %arg12[%swap3A_133] {strides = array<i32>} : memref<128xi32, #tpu.memory_space<vmem>>, vector<16xi32>,
      tpu.vector_store %arg12[%swap3A_133], %min3A_132 {strides = array<i32>} : memref<128xi32, #tpu.memory_space<vmem>>, vector<16xi32>,
      %mul3A_135 = arith.constant 128 : i32
      %mul3A_136 = arith.muli %while3A_90, %mul3A_135 : i32
      %add3A_137 = arith.constant 32 : i32
      %add3A_138 = arith.addi %mul3A_136, %add3A_137 : i32
      %get3A_139 = arith.index_cast %add3A_138 : i32 to index
      %get3A_140 = tpu.vector_load %arg7[%get3A_139] {strides = array<i32>} : memref<16528xi32, #tpu.memory_space<vmem>>, vector<16xi32>,
      %jit3A_141 = arith.constant 0 : i32
      %jit3A_142 = arith.constant 999999 : i32
      %max3A_143 = vector.broadcast %jit3A_141 : i32 to vector<16xi32>
      %max3A_144 = arith.maxsi %max3A_143, %get3A_140 : vector<16xi32>
      %min3A_145 = vector.broadcast %jit3A_142 : i32 to vector<16xi32>
      %min3A_146 = arith.minsi %min3A_145, %max3A_144 : vector<16xi32>
      %swap3A_147 = arith.constant 32 : index
      %swap3A_148 = tpu.vector_load %arg11[%swap3A_147] {strides = array<i32>} : memref<128xi32, #tpu.memory_space<vmem>>, vector<16xi32>,
      tpu.vector_store %arg11[%swap3A_147], %min3A_146 {strides = array<i32>} : memref<128xi32, #tpu.memory_space<vmem>>, vector<16xi32>,
      %get3A_149 = arith.index_cast %add3A_138 : i32 to index
      %get3A_150 = tpu.vector_load %arg9[%get3A_149] {strides = array<i32>} : memref<16528xi32, #tpu.memory_space<vmem>>, vector<16xi32>,
      %jit3A_151 = arith.constant 0 : i32
      %jit3A_152 = arith.constant 16383 : i32
      %max3A_153 = vector.broadcast %jit3A_151 : i32 to vector<16xi32>
      %max3A_154 = arith.maxsi %max3A_153, %get3A_150 : vector<16xi32>
      %min3A_155 = vector.broadcast %jit3A_152 : i32 to vector<16xi32>
      %min3A_156 = arith.minsi %min3A_155, %max3A_154 : vector<16xi32>
      %swap3A_157 = arith.constant 32 : index
      %swap3A_158 = tpu.vector_load %arg12[%swap3A_157] {strides = array<i32>} : memref<128xi32, #tpu.memory_space<vmem>>, vector<16xi32>,
      tpu.vector_store %arg12[%swap3A_157], %min3A_156 {strides = array<i32>} : memref<128xi32, #tpu.memory_space<vmem>>, vector<16xi32>,
      %mul3A_159 = arith.constant 128 : i32
      %mul3A_160 = arith.muli %while3A_90, %mul3A_159 : i32
      %add3A_161 = arith.constant 48 : i32
      %add3A_162 = arith.addi %mul3A_160, %add3A_161 : i32
      %get3A_163 = arith.index_cast %add3A_162 : i32 to index
      %get3A_164 = tpu.vector_load %arg7[%get3A_163] {strides = array<i32>} : memref<16528xi32, #tpu.memory_space<vmem>>, vector<16xi32>,
      %jit3A_165 = arith.constant 0 : i32
      %jit3A_166 = arith.constant 999999 : i32
      %max3A_167 = vector.broadcast %jit3A_165 : i32 to vector<16xi32>
      %max3A_168 = arith.maxsi %max3A_167, %get3A_164 : vector<16xi32>
      %min3A_169 = vector.broadcast %jit3A_166 : i32 to vector<16xi32>
      %min3A_170 = arith.minsi %min3A_169, %max3A_168 : vector<16xi32>
      %swap3A_171 = arith.constant 48 : index
      %swap3A_172 = tpu.vector_load %arg11[%swap3A_171] {strides = array<i32>} : memref<128xi32, #tpu.memory_space<vmem>>, vector<16xi32>,
      tpu.vector_store %arg11[%swap3A_171], %min3A_170 {strides = array<i32>} : memref<128xi32, #tpu.memory_space<vmem>>, vector<16xi32>,
      %get3A_173 = arith.index_cast %add3A_162 : i32 to index
      %get3A_174 = tpu.vector_load %arg9[%get3A_173] {strides = array<i32>} : memref<16528xi32, #tpu.memory_space<vmem>>, vector<16xi32>,
      %jit3A_175 = arith.constant 0 : i32
      %jit3A_176 = arith.constant 16383 : i32
      %max3A_177 = vector.broadcast %jit3A_175 : i32 to vector<16xi32>
      %max3A_178 = arith.maxsi %max3A_177, %get3A_174 : vector<16xi32>
      %min3A_179 = vector.broadcast %jit3A_176 : i32 to vector<16xi32>
      %min3A_180 = arith.minsi %min3A_179, %max3A_178 : vector<16xi32>
      %swap3A_181 = arith.constant 48 : index
      %swap3A_182 = tpu.vector_load %arg12[%swap3A_181] {strides = array<i32>} : memref<128xi32, #tpu.memory_space<vmem>>, vector<16xi32>,
      tpu.vector_store %arg12[%swap3A_181], %min3A_180 {strides = array<i32>} : memref<128xi32, #tpu.memory_space<vmem>>, vector<16xi32>,
      %mul3A_183 = arith.constant 128 : i32
      %mul3A_184 = arith.muli %while3A_90, %mul3A_183 : i32
      %add3A_185 = arith.constant 64 : i32
      %add3A_186 = arith.addi %mul3A_184, %add3A_185 : i32
      %get3A_187 = arith.index_cast %add3A_186 : i32 to index
      %get3A_188 = tpu.vector_load %arg7[%get3A_187] {strides = array<i32>} : memref<16528xi32, #tpu.memory_space<vmem>>, vector<16xi32>,
      %jit3A_189 = arith.constant 0 : i32
      %jit3A_190 = arith.constant 999999 : i32
      %max3A_191 = vector.broadcast %jit3A_189 : i32 to vector<16xi32>
      %max3A_192 = arith.maxsi %max3A_191, %get3A_188 : vector<16xi32>
      %min3A_193 = vector.broadcast %jit3A_190 : i32 to vector<16xi32>
      %min3A_194 = arith.minsi %min3A_193, %max3A_192 : vector<16xi32>
      %swap3A_195 = arith.constant 64 : index
      %swap3A_196 = tpu.vector_load %arg11[%swap3A_195] {strides = array<i32>} : memref<128xi32, #tpu.memory_space<vmem>>, vector<16xi32>,
      tpu.vector_store %arg11[%swap3A_195], %min3A_194 {strides = array<i32>} : memref<128xi32, #tpu.memory_space<vmem>>, vector<16xi32>,
      %get3A_197 = arith.index_cast %add3A_186 : i32 to index
      %get3A_198 = tpu.vector_load %arg9[%get3A_197] {strides = array<i32>} : memref<16528xi32, #tpu.memory_space<vmem>>, vector<16xi32>,
      %jit3A_199 = arith.constant 0 : i32
      %jit3A_200 = arith.constant 16383 : i32
      %max3A_201 = vector.broadcast %jit3A_199 : i32 to vector<16xi32>
      %max3A_202 = arith.maxsi %max3A_201, %get3A_198 : vector<16xi32>
      %min3A_203 = vector.broadcast %jit3A_200 : i32 to vector<16xi32>
      %min3A_204 = arith.minsi %min3A_203, %max3A_202 : vector<16xi32>
      %swap3A_205 = arith.constant 64 : index
      %swap3A_206 = tpu.vector_load %arg12[%swap3A_205] {strides = array<i32>} : memref<128xi32, #tpu.memory_space<vmem>>, vector<16xi32>,
      tpu.vector_store %arg12[%swap3A_205], %min3A_204 {strides = array<i32>} : memref<128xi32, #tpu.memory_space<vmem>>, vector<16xi32>,
      %mul3A_207 = arith.constant 128 : i32
      %mul3A_208 = arith.muli %while3A_90, %mul3A_207 : i32
      %add3A_209 = arith.constant 80 : i32
      %add3A_210 = arith.addi %mul3A_208, %add3A_209 : i32
      %get3A_211 = arith.index_cast %add3A_210 : i32 to index
      %get3A_212 = tpu.vector_load %arg7[%get3A_211] {strides = array<i32>} : memref<16528xi32, #tpu.memory_space<vmem>>, vector<16xi32>,
      %jit3A_213 = arith.constant 0 : i32
      %jit3A_214 = arith.constant 999999 : i32
      %max3A_215 = vector.broadcast %jit3A_213 : i32 to vector<16xi32>
      %max3A_216 = arith.maxsi %max3A_215, %get3A_212 : vector<16xi32>
      %min3A_217 = vector.broadcast %jit3A_214 : i32 to vector<16xi32>
      %min3A_218 = arith.minsi %min3A_217, %max3A_216 : vector<16xi32>
      %swap3A_219 = arith.constant 80 : index
      %swap3A_220 = tpu.vector_load %arg11[%swap3A_219] {strides = array<i32>} : memref<128xi32, #tpu.memory_space<vmem>>, vector<16xi32>,
      tpu.vector_store %arg11[%swap3A_219], %min3A_218 {strides = array<i32>} : memref<128xi32, #tpu.memory_space<vmem>>, vector<16xi32>,
      %get3A_221 = arith.index_cast %add3A_210 : i32 to index
      %get3A_222 = tpu.vector_load %arg9[%get3A_221] {strides = array<i32>} : memref<16528xi32, #tpu.memory_space<vmem>>, vector<16xi32>,
      %jit3A_223 = arith.constant 0 : i32
      %jit3A_224 = arith.constant 16383 : i32
      %max3A_225 = vector.broadcast %jit3A_223 : i32 to vector<16xi32>
      %max3A_226 = arith.maxsi %max3A_225, %get3A_222 : vector<16xi32>
      %min3A_227 = vector.broadcast %jit3A_224 : i32 to vector<16xi32>
      %min3A_228 = arith.minsi %min3A_227, %max3A_226 : vector<16xi32>
      %swap3A_229 = arith.constant 80 : index
      %swap3A_230 = tpu.vector_load %arg12[%swap3A_229] {strides = array<i32>} : memref<128xi32, #tpu.memory_space<vmem>>, vector<16xi32>,
      tpu.vector_store %arg12[%swap3A_229], %min3A_228 {strides = array<i32>} : memref<128xi32, #tpu.memory_space<vmem>>, vector<16xi32>,
      %mul3A_231 = arith.constant 128 : i32
      %mul3A_232 = arith.muli %while3A_90, %mul3A_231 : i32
      %add3A_233 = arith.constant 96 : i32
      %add3A_234 = arith.addi %mul3A_232, %add3A_233 : i32
      %get3A_235 = arith.index_cast %add3A_234 : i32 to index
      %get3A_236 = tpu.vector_load %arg7[%get3A_235] {strides = array<i32>} : memref<16528xi32, #tpu.memory_space<vmem>>, vector<16xi32>,
      %jit3A_237 = arith.constant 0 : i32
      %jit3A_238 = arith.constant 999999 : i32
      %max3A_239 = vector.broadcast %jit3A_237 : i32 to vector<16xi32>
      %max3A_240 = arith.maxsi %max3A_239, %get3A_236 : vector<16xi32>
      %min3A_241 = vector.broadcast %jit3A_238 : i32 to vector<16xi32>
      %min3A_242 = arith.minsi %min3A_241, %max3A_240 : vector<16xi32>
      %swap3A_243 = arith.constant 96 : index
      %swap3A_244 = tpu.vector_load %arg11[%swap3A_243] {strides = array<i32>} : memref<128xi32, #tpu.memory_space<vmem>>, vector<16xi32>,
      tpu.vector_store %arg11[%swap3A_243], %min3A_242 {strides = array<i32>} : memref<128xi32, #tpu.memory_space<vmem>>, vector<16xi32>,
      %get3A_245 = arith.index_cast %add3A_234 : i32 to index
      %get3A_246 = tpu.vector_load %arg9[%get3A_245] {strides = array<i32>} : memref<16528xi32, #tpu.memory_space<vmem>>, vector<16xi32>,
      %jit3A_247 = arith.constant 0 : i32
      %jit3A_248 = arith.constant 16383 : i32
      %max3A_249 = vector.broadcast %jit3A_247 : i32 to vector<16xi32>
      %max3A_250 = arith.maxsi %max3A_249, %get3A_246 : vector<16xi32>
      %min3A_251 = vector.broadcast %jit3A_248 : i32 to vector<16xi32>
      %min3A_252 = arith.minsi %min3A_251, %max3A_250 : vector<16xi32>
      %swap3A_253 = arith.constant 96 : index
      %swap3A_254 = tpu.vector_load %arg12[%swap3A_253] {strides = array<i32>} : memref<128xi32, #tpu.memory_space<vmem>>, vector<16xi32>,
      tpu.vector_store %arg12[%swap3A_253], %min3A_252 {strides = array<i32>} : memref<128xi32, #tpu.memory_space<vmem>>, vector<16xi32>,
      %mul3A_255 = arith.constant 128 : i32
      %mul3A_256 = arith.muli %while3A_90, %mul3A_255 : i32
      %add3A_257 = arith.constant 112 : i32
      %add3A_258 = arith.addi %mul3A_256, %add3A_257 : i32
      %get3A_259 = arith.index_cast %add3A_258 : i32 to index
      %get3A_260 = tpu.vector_load %arg7[%get3A_259] {strides = array<i32>} : memref<16528xi32, #tpu.memory_space<vmem>>, vector<16xi32>,
      %jit3A_261 = arith.constant 0 : i32
      %jit3A_262 = arith.constant 999999 : i32
      %max3A_263 = vector.broadcast %jit3A_261 : i32 to vector<16xi32>
      %max3A_264 = arith.maxsi %max3A_263, %get3A_260 : vector<16xi32>
      %min3A_265 = vector.broadcast %jit3A_262 : i32 to vector<16xi32>
      %min3A_266 = arith.minsi %min3A_265, %max3A_264 : vector<16xi32>
      %swap3A_267 = arith.constant 112 : index
      %swap3A_268 = tpu.vector_load %arg11[%swap3A_267] {strides = array<i32>} : memref<128xi32, #tpu.memory_space<vmem>>, vector<16xi32>,
      tpu.vector_store %arg11[%swap3A_267], %min3A_266 {strides = array<i32>} : memref<128xi32, #tpu.memory_space<vmem>>, vector<16xi32>,
      %get3A_269 = arith.index_cast %add3A_258 : i32 to index
      %get3A_270 = tpu.vector_load %arg9[%get3A_269] {strides = array<i32>} : memref<16528xi32, #tpu.memory_space<vmem>>, vector<16xi32>,
      %jit3A_271 = arith.constant 0 : i32
      %jit3A_272 = arith.constant 16383 : i32
      %max3A_273 = vector.broadcast %jit3A_271 : i32 to vector<16xi32>
      %max3A_274 = arith.maxsi %max3A_273, %get3A_270 : vector<16xi32>
      %min3A_275 = vector.broadcast %jit3A_272 : i32 to vector<16xi32>
      %min3A_276 = arith.minsi %min3A_275, %max3A_274 : vector<16xi32>
      %swap3A_277 = arith.constant 112 : index
      %swap3A_278 = tpu.vector_load %arg12[%swap3A_277] {strides = array<i32>} : memref<128xi32, #tpu.memory_space<vmem>>, vector<16xi32>,
      tpu.vector_store %arg12[%swap3A_277], %min3A_276 {strides = array<i32>} : memref<128xi32, #tpu.memory_space<vmem>>, vector<16xi32>,
      %dma_start3A = arith.constant 0 : i32
      %dma_start3A_279 = arith.constant 0 : i32
      %dma_start3A_280 = tpu.memref_slice %arg4[%dma_start3A, %dma_start3A_279] : memref<16384x32xf32, #tpu.memory_space<hbm>> -> memref<16384x32xf32, #tpu.memory_space<hbm>>
      tpu.enqueue_indirect_dma source(%dma_start3A_280 : memref<16384x32xf32, #tpu.memory_space<hbm>>) target(%arg13 : memref<128x32xf32, #tpu.memory_space<vmem>>) offsets(%arg12 : memref<128xi32, #tpu.memory_space<vmem>>) semaphore(%arg14 : memref<!tpu.dma_semaphore, #tpu.memory_space<semaphore_mem>>)
      %dma_wait3A = arith.constant 0 : i32
      %dma_wait3A_281 = arith.constant 0 : i32
      %dma_wait3A_282 = tpu.memref_slice %arg4[%dma_wait3A, %dma_wait3A_281] : memref<16384x32xf32, #tpu.memory_space<hbm>> -> memref<16384x32xf32, #tpu.memory_space<hbm>>
      tpu.wait_indirect_dma semaphore(%arg14 : memref<!tpu.dma_semaphore, #tpu.memory_space<semaphore_mem>>) src(%dma_wait3A_282 : memref<16384x32xf32, #tpu.memory_space<hbm>>) dst(%arg13 : memref<128x32xf32, #tpu.memory_space<vmem>>)
      %dma_start3A_283 = arith.constant 0 : i32
      %dma_start3A_284 = arith.constant 0 : i32
      %dma_start3A_285 = tpu.memref_slice %arg5[%dma_start3A_283, %dma_start3A_284] : memref<1000000x32xf32, #tpu.memory_space<hbm>> -> memref<1000000x32xf32, #tpu.memory_space<hbm>>
      tpu.enqueue_indirect_dma source(%arg13 : memref<128x32xf32, #tpu.memory_space<vmem>>) target(%dma_start3A_285 : memref<1000000x32xf32, #tpu.memory_space<hbm>>) offsets(%arg11 : memref<128xi32, #tpu.memory_space<vmem>>) semaphore(%arg15 : memref<!tpu.dma_semaphore, #tpu.memory_space<semaphore_mem>>)
      %dma_wait3A_286 = arith.constant 0 : i32
      %dma_wait3A_287 = arith.constant 0 : i32
      %dma_wait3A_288 = tpu.memref_slice %arg5[%dma_wait3A_286, %dma_wait3A_287] : memref<1000000x32xf32, #tpu.memory_space<hbm>> -> memref<1000000x32xf32, #tpu.memory_space<hbm>>
      tpu.wait_indirect_dma semaphore(%arg15 : memref<!tpu.dma_semaphore, #tpu.memory_space<semaphore_mem>>) src(%arg13 : memref<128x32xf32, #tpu.memory_space<vmem>>) dst(%dma_wait3A_288 : memref<1000000x32xf32, #tpu.memory_space<hbm>>)
    }
    return
  }
}

</mosaic_0001>

<sc_bundles>
// kernel: kernel.3.cloned.1.call-start
scs
__scs_entry_jumppad:
0x0: {  	(pc) =	sbr.rel $0x88, $3  }
0x1: {  	(tag) =	ssettag $0x0;
	lr =	simm.s32 $0x1  }
0x2: {  	[smem:$0x3F9E] =	sst lr;
	_ =	strace $0xD0000000  }
0x3: {  	_ = 	snop  }
0x4: {  	_ = 	snop  }
0x5: {  	_ = 	snop  }
0x6: {  	_ = 	snop  }
0x7: {  	_ = 	snop  }
__scs_overlays_trampoline_lowered:
0x8: {  	[smem:$0x3FAD] =	sst s0  }
0x9: {  	[smem:$0x3FAE] =	sst s1  }
0xa: {  	[smem:$0x3FAF] =	sst s2  }
0xb: {  	[smem:$0x3FB0] =	sst s3  }
0xc: {  	[smem:$0x3FB1] =	sst s4  }
0xd: {  	[smem:$0x3FB2] =	sst s5  }
0xe: {  	[smem:$0x3FB3] =	sst s6  }
0xf: {  	[smem:$0x3FB4] =	sst s7  }
0x10: {  	[smem:$0x3FB5] =	sst s8  }
0x11: {  	[smem:$0x3FB6] =	sst s9;
	s0 =	simm.s32 @!p0 $0x0  }
0x12: {  	s1 =	sld [smem:$0x3F9C];
	s0 =	simm.s32 @p0 $0x1  }
0x13: {  	[smem:$0x3FB7] =	sst s0;
	s0 =	simm.s32 @!p1 $0x0  }
0x14: {  	s2 =	sld [smem:$0x3F9B];
	s0 =	simm.s32 @p1 $0x1  }
0x15: {  	[smem:$0x3FB8] =	sst s0;
	s0 =	simm.s32 @!p2 $0x0  }
0x16: {  	s3 =	sld [smem:$0x3FDB];
	s0 =	simm.s32 @p2 $0x1  }
0x17: {  	s4 =	simm.s32 $0x1BF5;
	[smem:$0x3FBA] =	sst s0  }
0x18: {  	s0 =	sld [smem:$0x3F9D];
	_ =	swait.ge [sflag:s4], $0x0  }
0x19: {  	s7 =	sld [smem:$0x3F9E]  }
0x1a: {  	s8 =	sadd.s32 $0xFFFFE003, lr  }
0x1b: {  	s9 =	sadd.s32 $0xFFFFFEF7, lr;
	s5 =	simm.s32 $0xFFFFFFFF;
	p2 =	slt.u32 s8, $0xFFFFF086  }
0x1c: {  	p1 =	slt.u32 s9, $0xF7A;
	s5 =	simm.s32 @!p2 $0x0  }
0x1d: {  	s5 =	simm.s32 @p1 $0x1;
	p0 =	seq.s32 s7, s2  }
0x1e: {  	s7 =	smul.u32 @!p0 $0xF7A, s2;
	p2 =	seq.s32 @!p0 s5, $0x0  }
0x1f: {  	s9 =	smul.u32 $0xF7A, s1;
	s8 =	simm.s32 @!p0 $0x1BF5;
	p2 =	por !p2, p0  }
0x20: {  	[sflag:s8] =	ssyncset.s32 @!p0 $0xFFFFF086;
	s6 =	sadd.s32 @!p0 s3, s7;
	s7 =	simm.s32 @!p0 $0x108  }
0x21: {  	s3 =	sadd.s32 s3, s9;
	s6 =	sadd.s32 @!p0 $0x88, s6;
	s7 =	simm.s32 @p2 $0x1082  }
0x22: {  	[simem:s7], [sflag:s8] =	dma.local @!p0 [hbm:s6], $0xF7A  }
0x23: {  	s9 =	sor.u32 $0xD0000000, s2;
	s6 =	simm.s32 $0x108;
	_ =	swait.ge @!p0 [sflag:s8], $0x0  }
0x24: {  	s3 =	sadd.s32 $0x88, s3;
	s6 =	simm.s32 @!p1 $0x1082;
	[sflag:s4] =	ssyncset.s32 $0xFFFFF086  }
0x25: {  	[simem:s6], [sflag:s4] =	dma.local [hbm:s3], $0xF7A  }
0x26: {  	[smem:$0x3F9E] =	sst s1;
	(tag) =	ssettag s2;
	_ =	strace s9  }
0x27: {  	s1 =	sld [smem:$0x3FAE]  }
0x28: {  	s2 =	sld [smem:$0x3FAF]  }
0x29: {  	s4 =	sld [smem:$0x3FB1]  }
0x2a: {  	p0 =	seq.s32 s5, $0x0;
	s5 =	sld [smem:$0x3FB2]  }
0x2b: {  	s6 =	sld [smem:$0x3FB3]  }
0x2c: {  	s7 =	sld [smem:$0x3FB4]  }
0x2d: {  	s3 =	simm.s32 $0x108;
	s8 =	sld [smem:$0x3FB5]  }
0x2e: {  	s3 =	simm.s32 @!p0 $0x1082;
	s9 =	sld [smem:$0x3FB6]  }
0x2f: {  	lr =	sadd.s32 s0, s3;
	s0 =	sld [smem:$0x3FAD]  }
0x30: {  	s3 =	sld [smem:$0x3FB0]  }
0x31: {  	[smem:$0x3FB9] =	sst s10  }
0x32: {  	s10 =	sld [smem:$0x3FB7];
	_ =	sdelay $0x3  }
0x33: {  	p0 =	seq.s32 s10, $0x1;
	s10 =	sld [smem:$0x3FB9];
	_ =	sdelay $0x3  }
0x34: {  	[smem:$0x3FB9] =	sst s10  }
0x35: {  	s10 =	sld [smem:$0x3FB8];
	_ =	sdelay $0x3  }
0x36: {  	p1 =	seq.s32 s10, $0x1;
	s10 =	sld [smem:$0x3FB9];
	_ =	sdelay $0x3  }
0x37: {  	[smem:$0x3FB9] =	sst s10  }
0x38: {  	s10 =	sld [smem:$0x3FBA]  }
0x39: {  	_ = 	snop;
	(pc) =	sbr.ind lr, $3  }
0x3a: {  	_ = 	snop  }
0x3b: {  	_ = 	snop  }
0x3c: {  	p2 =	seq.s32 s10, $0x1;
	s10 =	sld [smem:$0x3FB9]  }
0x3d: {  	_ =	shalt  }
0x3e: {  	_ =	shalt  }
0x3f: {  	_ =	shalt  }
0x40: {  	_ =	shalt  }
0x41: {  	_ =	shalt  }
0x42: {  	_ =	shalt  }
0x43: {  	_ =	shalt  }
0x44: {  	_ =	shalt  }
0x45: {  	_ =	shalt  }
0x46: {  	_ =	shalt  }
0x47: {  	_ =	shalt  }
0x48: {  	_ =	shalt  }
0x49: {  	_ =	shalt  }
0x4a: {  	_ =	shalt  }
0x4b: {  	_ =	shalt  }
0x4c: {  	_ =	shalt  }
0x4d: {  	_ =	shalt  }
0x4e: {  	_ =	shalt  }
0x4f: {  	_ =	shalt  }
0x50: {  	_ =	shalt  }
0x51: {  	_ =	shalt  }
0x52: {  	_ =	shalt  }
0x53: {  	_ =	shalt  }
0x54: {  	_ =	shalt  }
0x55: {  	_ =	shalt  }
0x56: {  	_ =	shalt  }
0x57: {  	_ =	shalt  }
0x58: {  	_ =	shalt  }
0x59: {  	_ =	shalt  }
0x5a: {  	_ =	shalt  }
0x5b: {  	_ =	shalt  }
0x5c: {  	_ =	shalt  }
0x5d: {  	_ =	shalt  }
0x5e: {  	_ =	shalt  }
0x5f: {  	_ =	shalt  }
0x60: {  	_ =	shalt  }
0x61: {  	_ =	shalt  }
0x62: {  	_ =	shalt  }
0x63: {  	_ =	shalt  }
0x64: {  	_ =	shalt  }
0x65: {  	_ =	shalt  }
0x66: {  	_ =	shalt  }
0x67: {  	_ =	shalt  }
0x68: {  	_ =	shalt  }
0x69: {  	_ =	shalt  }
0x6a: {  	_ =	shalt  }
0x6b: {  	_ =	shalt  }
0x6c: {  	_ =	shalt  }
0x6d: {  	_ =	shalt  }
0x6e: {  	_ =	shalt  }
0x6f: {  	_ =	shalt  }
0x70: {  	_ =	shalt  }
0x71: {  	_ =	shalt  }
0x72: {  	_ =	shalt  }
0x73: {  	_ =	shalt  }
0x74: {  	_ =	shalt  }
0x75: {  	_ =	shalt  }
0x76: {  	_ =	shalt  }
0x77: {  	_ =	shalt  }
0x78: {  	_ =	shalt  }
0x79: {  	_ =	shalt  }
0x7a: {  	_ =	shalt  }
0x7b: {  	_ =	shalt  }
0x7c: {  	_ =	shalt  }
0x7d: {  	_ =	shalt  }
0x7e: {  	_ =	shalt  }
0x7f: {  	_ =	shalt  }
0x80: {  	_ =	shalt  }
0x81: {  	_ =	shalt  }
0x82: {  	_ =	shalt  }
0x83: {  	_ =	shalt  }
0x84: {  	_ =	shalt  }
0x85: {  	_ =	shalt  }
0x86: {  	_ =	shalt  }
0x87: {  	_ =	shalt  }
.Lfunc_end0:
.L_simem_size_0:
called_computation.1_lowered:
.L_overlay_start_0:
0x88: {  	s2 =	sld [smem:$0x3FD9]  }
0x89: {  	s3 =	sld [smem:$0x3FFE];
	_ =	sdelay $0x1  }
0x8a: {  	s1 =	srdreg.scid  }
0x8b: {  	s0 =	sand.u32 $0x1, s1  }
0x8c: {  	s17 =	sshll.u32 s0, $0xA;
	s2 =	sadd.s32 s3, s2  }
0x8d: {  	s2 =	sadd.s32 s2, s17  }
0x8e: {  	[smem:$0x3FC5] =	sst s2  }
0x8f: {  	_ = 	snop  }
0x90: {  	s2 =	sld [smem:$0x3FC8]  }
0x91: {  	s18 =	sld [smem:$0x3FD0];
	(tm) =	ssettm $0x1  }
0x92: {  	s4 =	sld [smem:$0x3FFB];
	_ =	sdelay $0x3  }
0x93: {  	_ =	strace s4  }
0x94: {  	s4 =	sld [smem:$0x3FFC];
	_ =	sdelay $0x3  }
0x95: {  	_ =	strace s4  }
0x96: {  	s4 =	sld [smem:$0x3FFD];
	_ =	sdelay $0x3  }
0x97: {  	_ =	strace s4  }
0x98: {  	_ =	strace $0x8FFFFFFF  }
0x99: {  	s19 =	sld [smem:$0x3FDB];
	_ =	sdelay $0x1  }
0x9a: {  	s5 =	simm.s32 $_scs_section_size  }
0x9b: {  	s6 =	simm.s32 $_size__tile_overlayer_lowered;
	s7 =	simm.s32 $_tile_overlayer_lowered  }
0x9c: {  	s22 =	simm.s32 $0x1BFF;
	s21 =	sshll.u32 s7, $0x1;
	s4 =	sadd.s32 s5, s19  }
0x9d: {  	s8 =	simm.s32 $0x0;
	s20 =	sshll.u32 s6, $0x1;
	s6 =	sadd.s32 s21, s4  }
0x9e: {  	[timem:s8], [sflag:s22] =	dma.local [hbm:s6], s20  }
0x9f: {  	_ =	swait.ge [sflag:s22], s20  }
0xa0: {  	s5 =	ssub.s32 $0x0, s20;
	[sflag:s22] =	ssyncset.done $0x0  }
0xa1: {  	[sflag:s22] =	ssyncadd.s32 s5;
	_ =	sdelay $0x1  }
0xa2: {  	s23 =	simm.s32 $0x1B8B  }
0xa3: {  	_ =	swait.ge [sflag:s23], $0x1  }
0xa4: {  	[sflag:s23] =	ssyncset.done $0x0  }
0xa5: {  	s25 =	simm.s32 $0x1B8E;
	s24 =	sld [smem:$0x3FFE];
	[sflag:s23] =	ssyncadd.s32 $0xFFFFFFFF  }
0xa6: {  	s26 =	simm.s32 $execute0_lowered;
	[smem:$0x3FD2] =	sst s25  }
0xa7: {  	s6 =	sshll.u32 s26, $0x1;
	_ =	strace $0x80000046;
	[dreg:$0x1] =	wrdreg $0xFFFFFFFF  }
0xa8: {  	s28 =	simm.s32 $_size_execute0_lowered;
	s4 =	sadd.s32 s4, s6;
	[dreg:$0x0] =	wrdreg $0x0  }
0xa9: {  	s6 =	sshll.u32 s28, $0x1;
	[dreg:$0x2] =	wrdreg s4  }
0xaa: {  	[dreg:$0x3] =	wrdreg s6  }
0xab: {  	[dreg:$0x4] =	wrdreg $0xC0  }
0xac: {  	_ =	task [dreg:s8], $0x5FFFF  }
0xad: {  	[dreg:$0x1] =	wrdreg $0xFFFFFFFF  }
0xae: {  	[dreg:$0x0] =	wrdreg $0x60  }
0xaf: {  	[dreg:$0x2] =	wrdreg s2  }
0xb0: {  	[dreg:$0x3] =	wrdreg s24  }
0xb1: {  	[dreg:$0x4] =	wrdreg s18  }
0xb2: {  	[dreg:$0x5] =	wrdreg $0x9  }
0xb3: {  	_ =	task.clear_ibuf [dreg:s8], $0x6FFFF;
	_ =	strace $0x90000046  }
0xb4: {  	s29 =	simm.s32 $0x9;
	_ =	strace $0x80000048  }
0xb5: {  	_ =	swait.ge [sflag:s29], $0x1  }
0xb6: {  	[sflag:s29] =	ssyncadd.s32 $0xFFFFFFFF  }
0xb7: {  	_ =	strace $0x90000048  }
0xb8: {  	_ =	sfence  }
0xb9: {  	s30 =	sld [smem:$0x0];
	_ =	sdelay $0x2  }
0xba: {  	s31 =	sshll.u32 s1, $0xD;
	s1 =	sshrl.u32 s1, $0x2  }
0xbb: {  	s3 =	sand.u32 $0x4000, s31;
	s1 =	sadd.s32 s1, s30  }
0xbc: {  	s0 =	sor.u32 s3, s0;
	s1 =	sshll.u32 s1, $0x11  }
0xbd: {  	s0 =	sor.u32 s1, s0  }
0xbe: {  	s0 =	sadd.s32 $0x8F2B, s0  }
0xbf: {  	[sflag:s0] =	ssyncadd.remote.s32 $0x1  }
0xc0: {  	_ =	sfence.sel $0xFFFF  }
0xc1: {  	[dreg:$0x0] =	wrdreg $0xFFFFFFFF;
	(pc) =	sbr.abs _section_cstart, $3  }
0xc2: {  	[dreg:$0x1] =	wrdreg $0xFFFFFFFF  }
0xc3: {  	_ =	task.clear_ibuf [dreg:s8], $0x2FFFF;
	_ =	strace $0x9FFFFFFF  }
0xc4: {  	(tm) =	ssettm $0x7FFFFFFF  }
0xc5: {  	_ =	shalt  }
tec
execute0_lowered:
.L_overlay_start_1:
0x0: {  	(tag) =	ssettag $0x1  }
0x1: {  	s1 =	rddreg [dreg:$0x0]  }
0x2: {  	s2 =	srdreg.scid;
	s5 =	rddreg [dreg:$0x1]  }
0x3: {  	s0 =	stileid.u32;
	s3 =	rddreg [dreg:$0x2]  }
0x4: {  	s8 =	simm.s32 $0x3;
	s9 =	simm.s32 $0x1;
	s10 =	simm.s32 $0x101B0  }
0x5: {  	s11 =	simm.s32 $0x8090;
	s12 =	simm.s32 $0x80;
	s13 =	simm.s32 $0x17C58  }
0x6: {  	s14 =	simm.s32 $0x17CD8;
	s4 =	sand.u32 $0x1, s2;
	s30 =	sshll.u32 s0, $0x1  }
.Ltmp0:
0x7: {  	s16 =	simm.s32 $0x2;
	s6 =	sor.u32 s4, s30;
	(pc) =	sbr.rel .LBB2_1-.Ltmp0, $4  }
0x8: {  	s17 =	simm.s32 $0x0;
	s7 =	ssub.s32 $0x2, s4;
	s4 =	smul.u32 $0x7A12, s6  }
0x9: {  	s2 =	rddreg [dreg:$0x3];
	_ =	strace $0x80000047;
	s31 =	sshrl.u32 s7, $0x1  }
0xa: {  	s5 =	sadd.s32 $0xA00, s5;
	s6 =	ssub.s32 s7, s31;
	s15 =	sadd.s32 $0x7A12, s4  }
0xb: {  	v2 =	vlaneseq.u32;
	s7 =	simm.s32 $0x0;
	s6 =	smax.u32 s6, $0x1;
	v0 =	vmov s4;
	v1 =	vmov s15;
	s15 =	simm.s32 $0x17BD8  }
.LBB2_13:
0xc: {  	[sflag:s16] =	ssyncadd.s32 $0xFFFFF000  }
.LBB2_14:
0xd: {  	s17 =	sadd.s32 $0x1, s17  }
0xe: {  	p0 =	sne.s32 s17, s6  }
.Ltmp1:
0xf: {  	_ = 	snop;
	(pc) =	sbr.rel @!p0 .LBB2_15-.Ltmp1, $1  }
0x10: {  	_ =	sdelay $0x3  }
.LBB2_1:
0x11: {  	[tilespmem:s7], [sflag:$0x3] =	stream.linear.gather [hbm4b:s1+s7], $0x4000, $0x38;
	[tilespmem:$0x18CD8] =	vst v63  }
0x12: {  	_ =	swait.ge [sflag:s8], $0x4000  }
0x13: {  	[sflag:s8] =	ssyncset.done $0x0  }
0x14: {  	[sflag:s8] =	ssyncadd.s32 $0xFFFFC000  }
0x15: {  	v3 =	vld [tilespmem:s7+$0x0];
	_ =	sdelay $0x4  }
0x16: {  	vm0 =	vge.s32 v3, v0;
	vm1 =	vlt.s32 v3, v1  }
0x17: {  	vm0 =	vmand vm0, vm1  }
0x18: {  	v4 =	vmpcnt.ones.xlane vm0;
	_ =	sdelay $0x1  }
0x19: {  	v4 =	vxor.u32 $0x80000000, v4  }
0x1a: {  	(xrf0) =	vmax.scan.msk.u32 $0xffff, v4;
	_ =	sdelay $0x5  }
0x1b: {  	v4, _, _ =	vpop (xrf0)  }
0x1c: {  	[tilespmem:s7+$0x4000] =	vst.msk vm0, v3;
	v3 =	vor.u32 s7, v2;
	(v2sf) =	vpush v4, $0xF  }
0x1d: {  	s18 =	simm.s32 $0x10;
	[tilespmem:s7+$0x8090] =	vst.msk vm0, v3  }
0x1e: {  	s20 =	simm.s32 $0x20;
	s19 =	simm.s32 $0x0;
	s21 =	simm.s32 $0x10;
	v3 =	vld [tilespmem:s18+$0x0]  }
.LBB2_2:
0x1f: {  	p0 =	seq.s32 s20, $0x3FF0;
	_ =	sdelay $0x3  }
0x20: {  	vm0 =	vge.s32 v3, v0;
	vm1 =	vlt.s32 v3, v1  }
0x21: {  	vm0 =	vmand vm0, vm1  }
0x22: {  	v4 =	vmpcnt.ones.xlane vm0;
	_ =	sdelay $0x1  }
0x23: {  	v4 =	vxor.u32 $0x80000000, v4  }
0x24: {  	(xrf0) =	vmax.scan.msk.u32 $0xffff, v4;
	_ =	sdelay $0x2  }
0x25: {  	s22 =	spop (v2sf)  }
0x26: {  	s19 =	sadd.s32 s22, s19  }
.Ltmp2:
0x27: {  	s19 =	sadd.s32 $0x80000000, s19;
	(pc) =	sbr.rel @!p0 .LBB2_2-.Ltmp2, $4  }
0x28: {  	[tilespmem:s19+$0x4000] =	vst.msk vm0, v3;
	v3 =	vor.u32 s18, v2;
	v4, _, _ =	vpop (xrf0);
	s18 =	smov.u32 s20  }
0x29: {  	[tilespmem:s19+$0x8090] =	vst.msk vm0, v3;
	(v2sf) =	vpush v4, $0xF  }
0x2a: {  	s21 =	sadd.s32 $0x10, s21  }
0x2b: {  	s20 =	sadd.s32 $0x10, s20;
	v3 =	vld [tilespmem:s21+$0x0]  }
0x2c: {  	_ =	sdelay $0x3  }
0x2d: {  	vm0 =	vge.s32 v3, v0;
	vm1 =	vlt.s32 v3, v1  }
0x2e: {  	vm0 =	vmand vm0, vm1  }
0x2f: {  	v4 =	vmpcnt.ones.xlane vm0;
	_ =	sdelay $0x1  }
0x30: {  	v4 =	vxor.u32 $0x80000000, v4  }
0x31: {  	(xrf0) =	vmax.scan.msk.u32 $0xffff, v4;
	_ =	sdelay $0x5  }
0x32: {  	v4, _, _ =	vpop (xrf0)  }
0x33: {  	(v2sf) =	vpush v4, $0xF;
	_ =	sdelay $0xc  }
0x34: {  	s20 =	spop (v2sf)  }
0x35: {  	s19 =	sadd.s32 s20, s19  }
0x36: {  	s19 =	sadd.s32 $0x80000000, s19;
	s20 =	spop (v2sf)  }
0x37: {  	s31 =	sadd.s32 s20, s19  }
0x38: {  	[tilespmem:s19+$0x4000] =	vst.msk vm0, v3;
	v3 =	vor.u32 s18, v2;
	s18 =	sadd.s32 $0x80000000, s31  }
0x39: {  	p0 =	slt.s32 s18, $0x1  }
.Ltmp3:
0x3a: {  	_ = 	snop;
	(pc) =	sbr.rel @p0 .LBB2_7-.Ltmp3, $2  }
0x3b: {  	_ =	sdelay $0x2  }
0x3c: {  	[tilespmem:s19+$0x8090] =	vst.msk vm0, v3  }
0x3d: {  	s19 =	sadd.s32 s19, s20;
	s20 =	simm.s32 $0x4000  }
0x3e: {  	v3 =	vld [tilespmem:s20+$0x0];
	_ =	sdelay $0x4  }
0x3f: {  	(v2sf) =	vpush v3, $0x0;
	_ =	sdelay $0xc  }
0x40: {  	s19 =	sadd.s32 $0x80000000, s19  }
0x41: {  	p2 =	sne.s32 s19, $0x1  }
.Ltmp4:
0x42: {  	s21 =	spop (v2sf);
	(pc) =	sbr.rel @!p2 .LBB2_6-.Ltmp4, $4  }
0x43: {  	s23 =	ssub.s32 s21, s4  }
0x44: {  	p1 =	sgt.s32 s23, $0x0  }
0x45: {  	s22 =	simm.s32 $0x0;
	s23 =	simm.s32 @!p1 $0x0  }
0x46: {  	v3 =	vmov s22;
	s21 =	simm.s32 $0x1;
	s23 =	smin.u32 s23, $0x7A11  }
.LBB2_5:
0x47: {  	[tilespmem:s23+$0x101B0] =	vst.msk $0x1, v3;
	s20 =	sadd.s32 $0x1, s20;
	s22 =	smov.u32 s21;
	s21 =	sadd.s32 $0x1, s21  }
0x48: {  	v3 =	vld [tilespmem:s20+$0x0];
	p1 =	sne.s32 s19, s21;
	_ =	sdelay $0x4  }
0x49: {  	(v2sf) =	vpush v3, $0x0;
	_ =	sdelay $0xe  }
.Ltmp5:
0x4a: {  	s23 =	spop (v2sf);
	(pc) =	sbr.rel @p1 .LBB2_5-.Ltmp5, $4  }
0x4b: {  	s23 =	ssub.s32 s23, s4  }
0x4c: {  	p2 =	sgt.s32 s23, $0x0  }
0x4d: {  	s23 =	simm.s32 @!p2 $0x0  }
0x4e: {  	v3 =	vmov s22;
	s23 =	smin.u32 s23, $0x7A11  }
.LBB2_6:
0x4f: {  	[tilespmem:s23+$0x101B0] =	vst.msk $0x1, v3  }
.LBB2_7:
0x50: {  	s19 =	sadd.s32 $0xF, s18  }
0x51: {  	s20 =	sand.u32 $0xF, s19  }
0x52: {  	s21 =	sshra.s32 s19, $0x1F;
	p1 =	slt.s32 s19, $0x1;
	p2 =	sne.s32 s20, $0x0  }
0x53: {  	s31 =	sshrl.u32 s21, $0x1C;
	p1 =	por !p1, !p2  }
0x54: {  	s20 =	simm.s32 $0x1;
	s19 =	sadd.s32 s31, s19;
	p1 =	por !p1, !p1  }
0x55: {  	s19 =	sshra.s32 s19, $0x4;
	s20 =	simm.s32 @!p1 $0x0  }
0x56: {  	s19 =	ssub.s32 s19, s20  }
0x57: {  	p1 =	slt.s32 s19, $0x1  }
.Ltmp6:
0x58: {  	_ = 	snop;
	(pc) =	sbr.rel @p1 .LBB2_10-.Ltmp6, $1  }
0x59: {  	_ =	sdelay $0x3  }
0x5a: {  	s20 =	simm.s32 $0x4000;
	s21 =	simm.s32 $0xC120  }
.LBB2_9:
0x5b: {  	v3 =	vld [tilespmem:s20+$0x0];
	_ =	sdelay $0x4  }
0x5c: {  	v3 =	vsub.s32 v3, v0  }
0x5d: {  	vm0 =	vgt.s32 v3, $0x0  }
0x5e: {  	v3 =	vnsel vm0, $0x0, v3  }
0x5f: {  	v3 =	vmin.u32 v3, $0x7A11;
	_ =	sdelay $0x4  }
0x60: {  	v3 =	vld.idx.msk [tilespmem:v3+s10+$0x0], $0xffff;
	_ =	sdelay $0x4  }
0x61: {  	vm15 =	vgt.s32 v3, $0x0  }
0x62: {  	v3 =	vnsel vm15, $0x0, v3  }
0x63: {  	v3 =	vmin.u32 v3, $0x3FFF;
	_ =	sdelay $0x4  }
0x64: {  	p1 =	sne.s32 s19, $0x1;
	v3 =	vld.idx.msk [tilespmem:v3+s11+$0x0], $0xffff  }
.Ltmp7:
0x65: {  	_ = 	snop;
	(pc) =	sbr.rel @p1 .LBB2_9-.Ltmp7, $2  }
0x66: {  	_ =	sdelay $0x2  }
0x67: {  	s20 =	sadd.s32 $0x10, s20;
	s19 =	sadd.s32 $0xFFFFFFFF, s19;
	[tilespmem:s21+$0x0] =	vst v3;
	s21 =	sadd.s32 $0x10, s21  }
.LBB2_10:
0x68: {  	v3 =	vld.msk @!p0 [tilespmem:$0x4000 ss:$0x0], $0xffff  }
0x69: {  	v4 =	vld.msk @!p0 [tilespmem:$0xC120 ss:$0x0], $0xffff;
	_ =	sdelay $0x3  }
0x6a: {  	[tilespmem:s18+$0x4000] =	vst @!p0 v3  }
0x6b: {  	s19 =	sand.u32 @!p0 $0x7FFFFFFF, s18;
	[tilespmem:s18+$0xC120] =	vst @!p0 v4  }
0x6c: {  	[tilespmem:s19+$0x4010] =	vst @!p0 v3  }
0x6d: {  	s30 =	sadd.s32 $0x7F, s18;
	[tilespmem:s19+$0xC130] =	vst @!p0 v4  }
0x6e: {  	s20 =	sand.u32 $0x7F, s30;
	[tilespmem:s19+$0x4020] =	vst @!p0 v3  }
0x6f: {  	s31 =	sshra.s32 s30, $0x1F;
	p2 =	slt.s32 s30, $0x1;
	p1 =	sne.s32 s20, $0x0;
	[tilespmem:s19+$0xC140] =	vst @!p0 v4  }
0x70: {  	s20 =	sshrl.u32 s31, $0x19;
	p1 =	por !p2, !p1;
	[tilespmem:s19+$0x4030] =	vst @!p0 v3  }
0x71: {  	p1 =	por !p1, !p1;
	s18 =	sadd.s32 s20, s30;
	s20 =	simm.s32 $0x1;
	[tilespmem:s19+$0xC150] =	vst @!p0 v4  }
0x72: {  	[tilespmem:s19+$0x4040] =	vst @!p0 v3;
	s18 =	sshra.s32 s18, $0x7;
	s20 =	simm.s32 @!p1 $0x0  }
0x73: {  	[tilespmem:s19+$0xC160] =	vst @!p0 v4;
	s20 =	ssub.s32 s18, s20  }
0x74: {  	[tilespmem:s19+$0x4050] =	vst @!p0 v3;
	p1 =	slt.s32 s20, $0x1  }
.Ltmp8:
0x75: {  	[tilespmem:s19+$0xC170] =	vst @!p0 v4;
	(pc) =	sbr.rel @p1 .LBB2_14-.Ltmp8, $4  }
0x76: {  	[tilespmem:s19+$0x4060] =	vst @!p0 v3  }
0x77: {  	[tilespmem:s19+$0xC180] =	vst @!p0 v4  }
0x78: {  	[tilespmem:s19+$0x4070] =	vst @!p0 v3  }
0x79: {  	[tilespmem:s19+$0xC190] =	vst @!p0 v4  }
0x7a: {  	s18 =	simm.s32 $0x4040  }
0x7b: {  	v3 =	vld [tilespmem:s18+$0xFFFFFFC0];
	_ =	sdelay $0x4  }
0x7c: {  	vm0 =	vgt.s32 v3, $0x0  }
0x7d: {  	v3 =	vnsel vm0, $0x0, v3  }
0x7e: {  	v3 =	vmin.u32 v3, $0xF423F  }
0x7f: {  	s19 =	simm.s32 $0xC160;
	[tilespmem:$0x17BD8] =	vst v3  }
0x80: {  	v3 =	vld [tilespmem:s19+$0xFFFFFFC0];
	_ =	sdelay $0x4  }
0x81: {  	vm13 =	vgt.s32 v3, $0x0  }
0x82: {  	v3 =	vnsel vm13, $0x0, v3  }
0x83: {  	v3 =	vmin.u32 v3, $0x3FFF  }
0x84: {  	[tilespmem:$0x17C58] =	vst v3  }
0x85: {  	v3 =	vld [tilespmem:s18+$0xFFFFFFD0];
	_ =	sdelay $0x4  }
0x86: {  	vm14 =	vgt.s32 v3, $0x0  }
0x87: {  	v3 =	vnsel vm14, $0x0, v3  }
0x88: {  	v3 =	vmin.u32 v3, $0xF423F  }
0x89: {  	[tilespmem:$0x17BE8] =	vst v3  }
0x8a: {  	v3 =	vld [tilespmem:s19+$0xFFFFFFD0];
	_ =	sdelay $0x4  }
0x8b: {  	vm15 =	vgt.s32 v3, $0x0  }
0x8c: {  	v3 =	vnsel vm15, $0x0, v3  }
0x8d: {  	v3 =	vmin.u32 v3, $0x3FFF  }
0x8e: {  	[tilespmem:$0x17C68] =	vst v3  }
0x8f: {  	v3 =	vld [tilespmem:s18+$0xFFFFFFE0];
	_ =	sdelay $0x4  }
0x90: {  	vm4 =	vgt.s32 v3, $0x0  }
0x91: {  	v3 =	vnsel vm4, $0x0, v3  }
0x92: {  	v3 =	vmin.u32 v3, $0xF423F  }
0x93: {  	[tilespmem:$0x17BF8] =	vst v3  }
0x94: {  	v3 =	vld [tilespmem:s19+$0xFFFFFFE0];
	_ =	sdelay $0x4  }
0x95: {  	vm5 =	vgt.s32 v3, $0x0  }
0x96: {  	v3 =	vnsel vm5, $0x0, v3  }
0x97: {  	v3 =	vmin.u32 v3, $0x3FFF  }
0x98: {  	[tilespmem:$0x17C78] =	vst v3  }
0x99: {  	v3 =	vld [tilespmem:s18+$0xFFFFFFF0];
	_ =	sdelay $0x4  }
0x9a: {  	vm6 =	vgt.s32 v3, $0x0  }
0x9b: {  	v3 =	vnsel vm6, $0x0, v3  }
0x9c: {  	v3 =	vmin.u32 v3, $0xF423F  }
0x9d: {  	[tilespmem:$0x17C08] =	vst v3  }
0x9e: {  	v3 =	vld [tilespmem:s19+$0xFFFFFFF0];
	_ =	sdelay $0x4  }
0x9f: {  	vm7 =	vgt.s32 v3, $0x0  }
0xa0: {  	v3 =	vnsel vm7, $0x0, v3  }
0xa1: {  	v3 =	vmin.u32 v3, $0x3FFF  }
0xa2: {  	[tilespmem:$0x17C88] =	vst v3  }
0xa3: {  	v3 =	vld [tilespmem:s18+$0x0];
	_ =	sdelay $0x4  }
0xa4: {  	vm8 =	vgt.s32 v3, $0x0  }
0xa5: {  	v3 =	vnsel vm8, $0x0, v3  }
0xa6: {  	v3 =	vmin.u32 v3, $0xF423F  }
0xa7: {  	[tilespmem:$0x17C18] =	vst v3  }
0xa8: {  	v3 =	vld [tilespmem:s19+$0x0];
	_ =	sdelay $0x4  }
0xa9: {  	vm9 =	vgt.s32 v3, $0x0  }
0xaa: {  	v3 =	vnsel vm9, $0x0, v3  }
0xab: {  	v3 =	vmin.u32 v3, $0x3FFF  }
0xac: {  	[tilespmem:$0x17C98] =	vst v3  }
0xad: {  	v3 =	vld [tilespmem:s18+$0x10];
	_ =	sdelay $0x4  }
0xae: {  	vm10 =	vgt.s32 v3, $0x0  }
0xaf: {  	v3 =	vnsel vm10, $0x0, v3  }
0xb0: {  	v3 =	vmin.u32 v3, $0xF423F  }
0xb1: {  	[tilespmem:$0x17C28] =	vst v3  }
0xb2: {  	v3 =	vld [tilespmem:s19+$0x10];
	_ =	sdelay $0x4  }
0xb3: {  	vm11 =	vgt.s32 v3, $0x0  }
0xb4: {  	v3 =	vnsel vm11, $0x0, v3  }
0xb5: {  	v3 =	vmin.u32 v3, $0x3FFF  }
0xb6: {  	[tilespmem:$0x17CA8] =	vst v3  }
0xb7: {  	v3 =	vld [tilespmem:s18+$0x20];
	_ =	sdelay $0x4  }
0xb8: {  	vm12 =	vgt.s32 v3, $0x0  }
0xb9: {  	v3 =	vnsel vm12, $0x0, v3  }
0xba: {  	v3 =	vmin.u32 v3, $0xF423F  }
0xbb: {  	[tilespmem:$0x17C38] =	vst v3  }
0xbc: {  	v3 =	vld [tilespmem:s19+$0x20];
	_ =	sdelay $0x4  }
0xbd: {  	vm13 =	vgt.s32 v3, $0x0  }
0xbe: {  	v3 =	vnsel vm13, $0x0, v3  }
0xbf: {  	v3 =	vmin.u32 v3, $0x3FFF  }
0xc0: {  	[tilespmem:$0x17CB8] =	vst v3  }
0xc1: {  	v3 =	vld [tilespmem:s18+$0x30];
	_ =	sdelay $0x4  }
0xc2: {  	vm14 =	vgt.s32 v3, $0x0  }
0xc3: {  	v3 =	vnsel vm14, $0x0, v3  }
0xc4: {  	v3 =	vmin.u32 v3, $0xF423F  }
0xc5: {  	[tilespmem:$0x17C48] =	vst v3  }
0xc6: {  	v3 =	vld [tilespmem:s19+$0x30];
	_ =	sdelay $0x4  }
0xc7: {  	vm15 =	vgt.s32 v3, $0x0  }
0xc8: {  	v3 =	vnsel vm15, $0x0, v3  }
0xc9: {  	v3 =	vmin.u32 v3, $0x3FFF  }
0xca: {  	[tilespmem:$0x17CC8] =	vst v3  }
0xcb: {  	[tilespmem:s14], [sflag:$0x1] =	stream.indirect.gather [hbm4b:s5+s12], $0x20, s13, s12, $0xb8;
	[tilespmem:$0x18CD8] =	vst v63  }
0xcc: {  	p0 =	sne.s32 s20, $0x1;
	_ =	swait.ge [sflag:s9], $0x1000  }
.Ltmp9:
0xcd: {  	[sflag:s9] =	ssyncset.done $0x0;
	(pc) =	sbr.rel @!p0 .LBB2_13-.Ltmp9, $4  }
0xce: {  	[sflag:s9] =	ssyncadd.s32 $0xFFFFF000  }
0xcf: {  	[hbm4b:s3+s12] =	stream.indirect.scatter [tilespmem:s14], [sflag:$0x2], $0x20, s15, s12, $0xb8;
	[tilespmem:$0x18CD8] =	vst v63  }
0xd0: {  	_ =	swait.ge [sflag:s16], $0x1000  }
0xd1: {  	s20 =	sadd.s32 $0xFFFFFFFF, s20;
	[sflag:s16] =	ssyncset.done $0x0  }
.LBB2_12:
0xd2: {  	[sflag:s16] =	ssyncadd.s32 $0xFFFFF000;
	s18 =	sadd.s32 $0x80, s18;
	s19 =	sadd.s32 $0x80, s19  }
0xd3: {  	p0 =	sne.s32 s20, $0x1;
	s20 =	sadd.s32 $0xFFFFFFFF, s20;
	v3 =	vld [tilespmem:s18+$0xFFFFFFC0];
	_ =	sdelay $0x4  }
0xd4: {  	vm0 =	vgt.s32 v3, $0x0  }
0xd5: {  	v3 =	vnsel vm0, $0x0, v3  }
0xd6: {  	v3 =	vmin.u32 v3, $0xF423F  }
0xd7: {  	[tilespmem:$0x17BD8] =	vst v3  }
0xd8: {  	v3 =	vld [tilespmem:s19+$0xFFFFFFC0];
	_ =	sdelay $0x4  }
0xd9: {  	vm0 =	vgt.s32 v3, $0x0  }
0xda: {  	v3 =	vnsel vm0, $0x0, v3  }
0xdb: {  	v3 =	vmin.u32 v3, $0x3FFF  }
0xdc: {  	[tilespmem:$0x17C58] =	vst v3  }
0xdd: {  	v3 =	vld [tilespmem:s18+$0xFFFFFFD0];
	_ =	sdelay $0x4  }
0xde: {  	vm0 =	vgt.s32 v3, $0x0  }
0xdf: {  	v3 =	vnsel vm0, $0x0, v3  }
0xe0: {  	v3 =	vmin.u32 v3, $0xF423F  }
0xe1: {  	[tilespmem:$0x17BE8] =	vst v3  }
0xe2: {  	v3 =	vld [tilespmem:s19+$0xFFFFFFD0];
	_ =	sdelay $0x4  }
0xe3: {  	vm0 =	vgt.s32 v3, $0x0  }
0xe4: {  	v3 =	vnsel vm0, $0x0, v3  }
0xe5: {  	v3 =	vmin.u32 v3, $0x3FFF  }
0xe6: {  	[tilespmem:$0x17C68] =	vst v3  }
0xe7: {  	v3 =	vld [tilespmem:s18+$0xFFFFFFE0];
	_ =	sdelay $0x4  }
0xe8: {  	vm0 =	vgt.s32 v3, $0x0  }
0xe9: {  	v3 =	vnsel vm0, $0x0, v3  }
0xea: {  	v3 =	vmin.u32 v3, $0xF423F  }
0xeb: {  	[tilespmem:$0x17BF8] =	vst v3  }
0xec: {  	v3 =	vld [tilespmem:s19+$0xFFFFFFE0];
	_ =	sdelay $0x4  }
0xed: {  	vm0 =	vgt.s32 v3, $0x0  }
0xee: {  	v3 =	vnsel vm0, $0x0, v3  }
0xef: {  	v3 =	vmin.u32 v3, $0x3FFF  }
0xf0: {  	[tilespmem:$0x17C78] =	vst v3  }
0xf1: {  	v3 =	vld [tilespmem:s18+$0xFFFFFFF0];
	_ =	sdelay $0x4  }
0xf2: {  	vm0 =	vgt.s32 v3, $0x0  }
0xf3: {  	v3 =	vnsel vm0, $0x0, v3  }
0xf4: {  	v3 =	vmin.u32 v3, $0xF423F  }
0xf5: {  	[tilespmem:$0x17C08] =	vst v3  }
0xf6: {  	v3 =	vld [tilespmem:s19+$0xFFFFFFF0];
	_ =	sdelay $0x4  }
0xf7: {  	vm0 =	vgt.s32 v3, $0x0  }
0xf8: {  	v3 =	vnsel vm0, $0x0, v3  }
0xf9: {  	v3 =	vmin.u32 v3, $0x3FFF  }
0xfa: {  	[tilespmem:$0x17C88] =	vst v3  }
0xfb: {  	v3 =	vld [tilespmem:s18+$0x0];
	_ =	sdelay $0x4  }
0xfc: {  	vm0 =	vgt.s32 v3, $0x0  }
0xfd: {  	v3 =	vnsel vm0, $0x0, v3  }
0xfe: {  	v3 =	vmin.u32 v3, $0xF423F  }
0xff: {  	[tilespmem:$0x17C18] =	vst v3  }
0x100: {  	v3 =	vld [tilespmem:s19+$0x0];
	_ =	sdelay $0x4  }
0x101: {  	vm0 =	vgt.s32 v3, $0x0  }
0x102: {  	v3 =	vnsel vm0, $0x0, v3  }
0x103: {  	v3 =	vmin.u32 v3, $0x3FFF  }
0x104: {  	[tilespmem:$0x17C98] =	vst v3  }
0x105: {  	v3 =	vld [tilespmem:s18+$0x10];
	_ =	sdelay $0x4  }
0x106: {  	vm0 =	vgt.s32 v3, $0x0  }
0x107: {  	v3 =	vnsel vm0, $0x0, v3  }
0x108: {  	v3 =	vmin.u32 v3, $0xF423F  }
0x109: {  	[tilespmem:$0x17C28] =	vst v3  }
0x10a: {  	v3 =	vld [tilespmem:s19+$0x10];
	_ =	sdelay $0x4  }
0x10b: {  	vm0 =	vgt.s32 v3, $0x0  }
0x10c: {  	v3 =	vnsel vm0, $0x0, v3  }
0x10d: {  	v3 =	vmin.u32 v3, $0x3FFF  }
0x10e: {  	[tilespmem:$0x17CA8] =	vst v3  }
0x10f: {  	v3 =	vld [tilespmem:s18+$0x20];
	_ =	sdelay $0x4  }
0x110: {  	vm0 =	vgt.s32 v3, $0x0  }
0x111: {  	v3 =	vnsel vm0, $0x0, v3  }
0x112: {  	v3 =	vmin.u32 v3, $0xF423F  }
0x113: {  	[tilespmem:$0x17C38] =	vst v3  }
0x114: {  	v3 =	vld [tilespmem:s19+$0x20];
	_ =	sdelay $0x4  }
0x115: {  	vm0 =	vgt.s32 v3, $0x0  }
0x116: {  	v3 =	vnsel vm0, $0x0, v3  }
0x117: {  	v3 =	vmin.u32 v3, $0x3FFF  }
0x118: {  	[tilespmem:$0x17CB8] =	vst v3  }
0x119: {  	v3 =	vld [tilespmem:s18+$0x30];
	_ =	sdelay $0x4  }
0x11a: {  	vm0 =	vgt.s32 v3, $0x0  }
0x11b: {  	v3 =	vnsel vm0, $0x0, v3  }
0x11c: {  	v3 =	vmin.u32 v3, $0xF423F  }
0x11d: {  	[tilespmem:$0x17C48] =	vst v3  }
0x11e: {  	v3 =	vld [tilespmem:s19+$0x30];
	_ =	sdelay $0x4  }
0x11f: {  	vm0 =	vgt.s32 v3, $0x0  }
0x120: {  	v3 =	vnsel vm0, $0x0, v3  }
0x121: {  	v3 =	vmin.u32 v3, $0x3FFF  }
0x122: {  	[tilespmem:$0x17CC8] =	vst v3  }
0x123: {  	[tilespmem:s14], [sflag:$0x1] =	stream.indirect.gather [hbm4b:s5+s12], $0x20, s13, s12, $0xb8;
	[tilespmem:$0x18CD8] =	vst v63  }
0x124: {  	_ =	swait.ge [sflag:s9], $0x1000  }
.Ltmp10:
0x125: {  	[sflag:s9] =	ssyncset.done $0x0;
	(pc) =	sbr.rel @p0 .LBB2_12-.Ltmp10, $4  }
0x126: {  	[sflag:s9] =	ssyncadd.s32 $0xFFFFF000  }
0x127: {  	[hbm4b:s3+s12] =	stream.indirect.scatter [tilespmem:s14], [sflag:$0x2], $0x20, s15, s12, $0xb8;
	[tilespmem:$0x18CD8] =	vst v63  }
0x128: {  	_ =	swait.ge [sflag:s16], $0x1000  }
0x129: {  	[sflag:s16] =	ssyncset.done $0x0  }
.Ltmp11:
0x12a: {  	_ = 	snop;
	(pc) =	sbr.rel .LBB2_13-.Ltmp11, $1  }
0x12b: {  	_ =	sdelay $0x3  }
.LBB2_15:
0x12c: {  	_ =	sfence.sel $0x180000  }
0x12d: {  	[bflag:$0x0] =	sbarrier.arrive $0xFFFF  }
0x12e: {  	p0 =	sne.s32 s0, $0x0;
	_ =	strace $0x90000047  }
0x12f: {  	s0 =	sadd.s32 @!p0 $0x100000, s2;
	[bflag:$0x2] =	sbarrier.arrive $0xFFFF  }
0x130: {  	[sflag:s0] =	ssyncadd.tile.s32 @!p0 $0x1;
	_ =	shalt  }
.Lfunc_end2:
_tile_overlayer_lowered:
.L_overlay_start_2:
0x131: {  	(tag) =	ssettag $0x2  }
0x132: {  	s0 =	rddreg [dreg:$0x0];
	s2 =	stileid.u32  }
0x133: {  	s1 =	rddreg [dreg:$0x1];
	p0 =	sne.s32 s2, $0x0  }
0x134: {  	s3 =	rddreg [dreg:$0x2];
	[bflag:$0x3] =	sbarrier.arrive $0xFFFF;
	s2 =	simm.s32 @!p0 $0x1C03  }
0x135: {  	[timem:s3], [sflag:s2] =	dma.local @!p0 [hbm:s0], s1  }
0x136: {  	s0 =	simm.s32 @!p0 $0x3  }
0x137: {  	_ =	swait.ge @!p0 [sflag:s0], s1  }
0x138: {  	s1 =	ssub.s32 @!p0 $0x0, s1;
	[sflag:s0] =	ssyncset.done @!p0 $0x0  }
0x139: {  	[sflag:s0] =	ssyncadd.s32 @!p0 s1  }
0x13a: {  	[bflag:$0x3] =	sbarrier.arrive $0xFFFF  }
0x13b: {  	_ =	shalt  }

// kernel: sparse-core-data-format-call.cloned.1.call-start
scs
called_computation_lowered:
.L_overlay_start_0:
0x0: {  	s2 =	sld [smem:$0x3FD9]  }
0x1: {  	s3 =	sld [smem:$0x3FFE];
	_ =	sdelay $0x1  }
0x2: {  	s1 =	srdreg.scid  }
0x3: {  	s0 =	sand.u32 $0x1, s1  }
0x4: {  	s18 =	sshll.u32 s0, $0xA;
	s2 =	sadd.s32 s3, s2  }
0x5: {  	s2 =	sadd.s32 s2, s18  }
0x6: {  	[smem:$0x3FC5] =	sst s2  }
0x7: {  	_ = 	snop  }
0x8: {  	s2 =	sld [smem:$0x3FD0];
	(tm) =	ssettm $0x1  }
0x9: {  	s19 =	sld [smem:$0x3FFB];
	_ =	sdelay $0x3  }
0xa: {  	_ =	strace s19  }
0xb: {  	s3 =	sld [smem:$0x3FFC];
	_ =	sdelay $0x3  }
0xc: {  	_ =	strace s3  }
0xd: {  	s3 =	sld [smem:$0x3FFD];
	_ =	sdelay $0x3  }
0xe: {  	_ =	strace s3  }
0xf: {  	_ =	strace $0x8FFFFFFF  }
0x10: {  	s20 =	sld [smem:$0x3FDB];
	_ =	sdelay $0x1  }
0x11: {  	s4 =	simm.s32 $_scs_section_size  }
0x12: {  	s5 =	simm.s32 $_size__tile_overlayer_lowered;
	s6 =	simm.s32 $_tile_overlayer_lowered  }
0x13: {  	s23 =	simm.s32 $0x1BFF;
	s22 =	sshll.u32 s6, $0x1;
	s3 =	sadd.s32 s4, s20  }
0x14: {  	s7 =	simm.s32 $0x0;
	s21 =	sshll.u32 s5, $0x1;
	s5 =	sadd.s32 s22, s3  }
0x15: {  	[timem:s7], [sflag:s23] =	dma.local [hbm:s5], s21  }
0x16: {  	_ =	swait.ge [sflag:s23], s21  }
0x17: {  	s4 =	ssub.s32 $0x0, s21;
	[sflag:s23] =	ssyncset.done $0x0  }
0x18: {  	[sflag:s23] =	ssyncadd.s32 s4;
	_ =	sdelay $0x1  }
0x19: {  	s24 =	simm.s32 $0x1B8B  }
0x1a: {  	_ =	swait.ge [sflag:s24], $0x1  }
0x1b: {  	[sflag:s24] =	ssyncset.done $0x0  }
0x1c: {  	s26 =	simm.s32 $0x1B8E;
	s25 =	sld [smem:$0x3FFE];
	[sflag:s24] =	ssyncadd.s32 $0xFFFFFFFF  }
0x1d: {  	s27 =	simm.s32 $execute0_lowered;
	[smem:$0x3FD2] =	sst s26  }
0x1e: {  	s5 =	sshll.u32 s27, $0x1;
	_ =	strace $0x80000049;
	[dreg:$0x1] =	wrdreg $0xFFFFFFFF  }
0x1f: {  	s28 =	simm.s32 $_size_execute0_lowered;
	s3 =	sadd.s32 s3, s5;
	[dreg:$0x0] =	wrdreg $0x0  }
0x20: {  	s5 =	sshll.u32 s28, $0x1;
	[dreg:$0x2] =	wrdreg s3  }
0x21: {  	[dreg:$0x3] =	wrdreg s5  }
0x22: {  	[dreg:$0x4] =	wrdreg $0xC0  }
0x23: {  	_ =	task [dreg:s7], $0x5FFFF  }
0x24: {  	[dreg:$0x1] =	wrdreg $0xFFFFFFFF  }
0x25: {  	[dreg:$0x0] =	wrdreg $0x60  }
0x26: {  	[dreg:$0x2] =	wrdreg s25  }
0x27: {  	[dreg:$0x3] =	wrdreg s2  }
0x28: {  	[dreg:$0x4] =	wrdreg $0x9  }
0x29: {  	_ =	task.clear_ibuf [dreg:s7], $0x5FFFF;
	_ =	strace $0x90000049  }
0x2a: {  	s29 =	simm.s32 $0x9;
	_ =	strace $0x8000004B  }
0x2b: {  	_ =	swait.ge [sflag:s29], $0x1  }
0x2c: {  	[sflag:s29] =	ssyncadd.s32 $0xFFFFFFFF  }
0x2d: {  	_ =	strace $0x9000004B  }
0x2e: {  	_ =	sfence  }
0x2f: {  	s30 =	sld [smem:$0x0];
	_ =	sdelay $0x2  }
0x30: {  	s31 =	sshll.u32 s1, $0xD;
	s1 =	sshrl.u32 s1, $0x2  }
0x31: {  	s3 =	sand.u32 $0x4000, s31;
	s1 =	sadd.s32 s1, s30  }
0x32: {  	s0 =	sor.u32 s3, s0;
	s1 =	sshll.u32 s1, $0x11  }
0x33: {  	s0 =	sor.u32 s1, s0  }
0x34: {  	s0 =	sadd.s32 $0x8F2B, s0  }
0x35: {  	[sflag:s0] =	ssyncadd.remote.s32 $0x1  }
0x36: {  	_ =	sfence.sel $0xFFFF  }
0x37: {  	[dreg:$0x0] =	wrdreg $0xFFFFFFFF;
	(pc) =	sbr.abs _section_cstart, $3  }
0x38: {  	[dreg:$0x1] =	wrdreg $0xFFFFFFFF  }
0x39: {  	_ =	task.clear_ibuf [dreg:s7], $0x2FFFF;
	_ =	strace $0x9FFFFFFF  }
0x3a: {  	(tm) =	ssettm $0x7FFFFFFF  }
0x3b: {  	_ =	shalt  }
tec
execute0_lowered:
.L_overlay_start_1:
0x0: {  	(tag) =	ssettag $0x1  }
0x1: {  	s4 =	rddreg [dreg:$0x0]  }
0x2: {  	s0 =	srdreg.scid;
	s2 =	rddreg [dreg:$0x1]  }
0x3: {  	s1 =	stileid.u32;
	s5 =	simm.s32 $0x1;
	s0 =	sshll.u32 s0, $0x4  }
0x4: {  	s7 =	simm.s32 $0x2;
	s11 =	simm.s32 $0x0;
	s3 =	sand.u32 $0x10, s0  }
.Ltmp0:
0x5: {  	p0 =	por $0x0, $0x0;
	s3 =	sor.u32 s1, s3;
	(pc) =	sbr.rel .LBB1_1-.Ltmp0, $4  }
0x6: {  	s8 =	simm.s32 $0x7A1400;
	s10 =	simm.s32 $0x0;
	s3 =	sshll.u32 s3, $0x7  }
0x7: {  	s0 =	rddreg [dreg:$0x2];
	_ =	strace $0x8000004A;
	s6 =	ssub.s32 $0xF4200, s3  }
0x8: {  	s4 =	sadd.s32 $0xA00, s4;
	[sflag:s5] =	ssyncpa.u1 $0x0;
	s6 =	sshrl.u32 s6, $0xC  }
0x9: {  	[sflag:s7] =	ssyncpa.u1 $0x0;
	s9 =	smov.u32 s3;
	s7 =	sadd.s32 $0x2, s6  }
.LBB1_5:
0xa: {  	s13 =	sadd.s32 $0x1000, s9  }
0xb: {  	p2 =	sgt.s32 s13, $0xF423F  }
0xc: {  	s13 =	smov.u32 @p2 s3;
	p2 =	sne.s32 s10, s7  }
.Ltmp1:
0xd: {  	p1 =	slt.u32 s10, $0x2;
	(pc) =	sbr.rel @!p2 .LBB1_6-.Ltmp1, $4  }
0xe: {  	s12 =	simm.s32 @!p1 $0x2  }
0xf: {  	s14 =	sadd.s32 $0x1, s10;
	_ =	swait.ge @!p1 [sflag:s12], $0x1000  }
0x10: {  	s11 =	smov.u32 s9;
	p0 =	por !p0, !p0;
	[sflag:s12] =	ssyncset.done @!p1 $0x0  }
0x11: {  	s10 =	smov.u32 s14;
	s9 =	smov.u32 s13;
	[sflag:s12] =	ssyncadd.s32 @!p1 $0xFFFFF000  }
.LBB1_1:
0x12: {  	p1 =	sgt.u32 s10, s6  }
0x13: {  	s13 =	smov.u32 s9;
	p2 =	sgt.s32 @!p1 s9, $0xF41C0  }
0x14: {  	s12 =	sand.u32 @!p1 $0x1FFFFFF, s9;
	s14 =	sshra.s32 @!p1 s9, $0x1F;
	p2 =	por !p2, p1  }
0x15: {  	s15 =	smulhi.u32 @!p1 $0x218DEF5, s12;
	s14 =	sand.u32 @!p1 s14, s9;
	s13 =	simm.s32 @p2 $0xF41C0  }
0x16: {  	s13 =	ssub.s32 @!p1 s13, s14  }
0x17: {  	s14 =	sshrl.u32 @!p1 s15, $0xD;
	s13 =	sadd.s32 @!p1 $0xFFF0BE40, s13  }
0x18: {  	s15 =	sxor.u32 @!p1 $0xFFFFFFFF, s10;
	s14 =	smul.u32 @!p1 $0xF4240, s14;
	s16 =	sshll.u32 @!p1 s13, $0x7  }
0x19: {  	s15 =	sshll.u32 @!p1 s15, $0xC;
	p2 =	sgt.s32 @!p1 s13, $0x7F;
	s13 =	ssub.s32 @!p1 $0x4000, s16  }
0x1a: {  	s12 =	ssub.s32 @!p1 s12, s14;
	p2 =	por !p2, p1;
	s14 =	sand.u32 @!p1 $0x1000, s15  }
0x1b: {  	s15 =	simm.s32 @!p1 $0x20;
	s13 =	sshrl.u32 @!p1 s13, $0x2;
	s12 =	sshll.u32 @!p1 s12, $0x4  }
0x1c: {  	s16 =	simm.s32 @!p1 $0x80;
	s13 =	simm.s32 @!p2 $0x0;
	s12 =	sadd.s32 @!p1 s4, s12  }
0x1d: {  	[tilespmem:s14], [sflag:$0x1] =	stream.strided.gather @!p1 [hbm4b:s12+s15], s13, s16, s15, $0x38;
	[tilespmem:$0x4040] =	vst v63  }
0x1e: {  	p1 =	seq.s32 s10, $0x0  }
0x1f: {  	p2 =	sge.u32 @!p1 s10, s7  }
0x20: {  	p1 =	por p1, p2  }
.Ltmp2:
0x21: {  	_ = 	snop;
	(pc) =	sbr.rel @p1 .LBB1_5-.Ltmp2, $1  }
0x22: {  	_ =	sdelay $0x3  }
0x23: {  	p1 =	sgt.s32 s11, $0xF41C0;
	s12 =	smov.u32 s11;
	s13 =	sshra.s32 s11, $0x1F  }
0x24: {  	s12 =	simm.s32 @!p1 $0xF41C0;
	s13 =	sand.u32 s13, s11  }
0x25: {  	s12 =	ssub.s32 s12, s13  }
0x26: {  	s12 =	sadd.s32 $0xFFF0BE40, s12  }
0x27: {  	s28 =	sshll.u32 s12, $0x7  }
0x28: {  	s13 =	ssub.s32 $0x4000, s28  }
0x29: {  	p1 =	sgt.s32 s12, $0x7F;
	s12 =	sshrl.u32 s13, $0x2  }
0x2a: {  	s13 =	simm.s32 $0x1;
	s12 =	simm.s32 @p1 $0x0  }
0x2b: {  	s13 =	simm.s32 @!p0 $0x0;
	_ =	swait.ge [sflag:s5], s12  }
0x2c: {  	s14 =	sshll.u32 s13, $0xC;
	s12 =	ssub.s32 $0x0, s12;
	[sflag:s5] =	ssyncset.done $0x0  }
0x2d: {  	s16 =	sor.u32 $0x10, s14;
	[sflag:s5] =	ssyncadd.s32 s12  }
0x2e: {  	s29 =	smul.u32 $0x4080, s13;
	v1 =	vld [tilespmem:s16+$0x0]  }
0x2f: {  	s30 =	sand.u32 $0x1, s10;
	v0 =	vld [tilespmem:s16+$0xFFFFFFF0]  }
0x30: {  	s13 =	smul.u32 $0x4080, s30;
	s12 =	sshrl.u32 s29, $0x2  }
0x31: {  	s14 =	sor.u32 $0x2000, s12  }
0x32: {  	s31 =	sshrl.u32 s13, $0x2;
	s13 =	sadd.s32 $0x0, s14  }
0x33: {  	s15 =	simm.s32 $0x4;
	s12 =	sor.u32 $0x2000, s31;
	s16 =	sadd.s32 $0x20, s16;
	[tilespmem:s13+$0x810 ss:$0x81] =	vst.msk $0xffff, v1  }
.LBB1_3:
0x34: {  	v1 =	vld [tilespmem:s16+$0x0];
	p1 =	sne.s32 s15, $0x1FC;
	[tilespmem:s13+$0x0 ss:$0x81] =	vst.msk $0xffff, v0;
	s13 =	smov.u32 s15;
	s15 =	sadd.s32 $0x4, s15  }
.Ltmp3:
0x35: {  	v0 =	vld [tilespmem:s16+$0xFFFFFFF0];
	(pc) =	sbr.rel @p1 .LBB1_3-.Ltmp3, $4  }
0x36: {  	_ = 	snop  }
0x37: {  	s13 =	sshra.s32 s13, $0x2  }
0x38: {  	s13 =	sadd.s32 s13, s14  }
0x39: {  	s16 =	sadd.s32 $0x20, s16;
	[tilespmem:s13+$0x810 ss:$0x81] =	vst.msk $0xffff, v1  }
0x3a: {  	s14 =	sshll.u32 s11, $0x3  }
0x3b: {  	s30 =	sand.u32 $0x7F, s11;
	s14 =	sand.u32 $0xFFFFFC00, s14  }
0x3c: {  	s11 =	sor.u32 s30, s14  }
0x3d: {  	s15 =	smulhi.u32 $0x218D6287, s11;
	_ =	sdelay $0x1  }
0x3e: {  	s14 =	smulhi.u32 $0x218D6287, s14;
	s15 =	sshrl.u32 s15, $0x11  }
0x3f: {  	s15 =	smul.u32 $0xF4280, s15  }
0x40: {  	s14 =	sshrl.u32 s14, $0x11  }
.Ltmp4:
0x41: {  	s14 =	sand.u32 $0x1F, s14;
	s11 =	ssub.s32 s11, s15;
	(pc) =	sbr.rel .LBB1_5-.Ltmp4, $4  }
0x42: {  	s14 =	smul.u32 $0x1E850, s14;
	s15 =	sshrl.u32 s11, $0x3;
	s11 =	sand.u32 $0x7, s11  }
0x43: {  	s15 =	sadd.s32 s2, s15;
	s11 =	sshll.u32 s11, $0x12  }
0x44: {  	[tilespmem:s13+$0x0 ss:$0x81] =	vst.msk $0xffff, v0;
	s31 =	sadd.s32 s14, s15;
	s11 =	sor.u32 $0x400, s11  }
0x45: {  	[hbm4b:s31+s11] =	stream.strided.scatter [tilespmem:s12], [sflag:$0x2], $0x1000, s8, s11, $0x20;
	[tilespmem:$0x4040] =	vst v63  }
.LBB1_6:
0x46: {  	_ =	sfence.sel $0x180000  }
0x47: {  	s2 =	simm.s32 $0x1;
	[bflag:$0x0] =	sbarrier.arrive $0xFFFF  }
0x48: {  	s31 =	simm.s32 $0x2;
	[sflag:s2] =	ssyncpa.u1 $0x1  }
0x49: {  	[sflag:s31] =	ssyncpa.u1 $0x1  }
0x4a: {  	p0 =	sne.s32 s1, $0x0;
	_ =	strace $0x9000004A  }
0x4b: {  	s0 =	sadd.s32 @!p0 $0x100000, s0;
	[bflag:$0x2] =	sbarrier.arrive $0xFFFF  }
0x4c: {  	[sflag:s0] =	ssyncadd.tile.s32 @!p0 $0x1;
	_ =	shalt  }
.Lfunc_end1:
_tile_overlayer_lowered:
.L_overlay_start_2:
0x4d: {  	(tag) =	ssettag $0x2  }
0x4e: {  	s0 =	rddreg [dreg:$0x0];
	s2 =	stileid.u32  }
0x4f: {  	s1 =	rddreg [dreg:$0x1];
	p0 =	sne.s32 s2, $0x0  }
0x50: {  	s3 =	rddreg [dreg:$0x2];
	[bflag:$0x3] =	sbarrier.arrive $0xFFFF;
	s2 =	simm.s32 @!p0 $0x1C01  }
0x51: {  	[timem:s3], [sflag:s2] =	dma.local @!p0 [hbm:s0], s1  }
0x52: {  	s0 =	simm.s32 @!p0 $0x1  }
0x53: {  	_ =	swait.ge @!p0 [sflag:s0], s1  }
0x54: {  	s1 =	ssub.s32 @!p0 $0x0, s1;
	[sflag:s0] =	ssyncset.done @!p0 $0x0  }
0x55: {  	[sflag:s0] =	ssyncadd.s32 @!p0 s1  }
0x56: {  	[bflag:$0x3] =	sbarrier.arrive $0xFFFF  }
0x57: {  	_ =	shalt  }

</sc_bundles>
